<compile_context>
chip_gen: v7x
topology: tpu7x:2x2x1
jax: 0.10.2.dev20260603
libtpu: 0.0.44.dev20260713+nightly
codegen_flags: <defaults>
</compile_context>

<pallas_src>
import functools

import jax
import jax.numpy as jnp
from jax import lax
from jax.experimental import pallas as pl
from jax.experimental.pallas import tpu as pltpu
from jax.experimental.pallas import tpu_sc as plsc

D = 128
ROWS = 367
GMAX = 128
NBUF = 8
H0 = 128
H1 = 72


def kernel(time, pe):
    bsz, t = time.shape
    info = plsc.get_sparse_core_info()
    nc, ns = info.num_cores, info.num_subcores
    nw = nc * ns
    rpw = bsz // nw
    n_units = 2 * rpw
    n_outer = n_units // NBUF
    assert bsz == nw * rpw and n_units % NBUF == 0
    assert t == H0 + H1 and H0 <= GMAX and H1 <= GMAX

    mesh = plsc.VectorSubcoreMesh(core_axis_name="c", subcore_axis_name="s")

    @functools.partial(
        pl.kernel,
        mesh=mesh,
        compiler_params=pltpu.CompilerParams(use_tc_tiling_on_sc=True),
        out_type=jax.ShapeDtypeStruct((bsz, t, D), jnp.float32),
        scratch_types=[
            pltpu.VMEM_SHARED((ROWS, D), jnp.float32),
            pltpu.VMEM((rpw, t), jnp.int32),
        ]
        + [pltpu.VMEM((H0 if b % 2 == 0 else H1, D), jnp.float32)
           for b in range(NBUF)]
        + [pltpu.SemaphoreType.DMA for _ in range(2 * NBUF)],
    )
    def k(idx_hbm, pe_hbm, out_hbm, tab_sh, idx_v, *rest):
        rows = rest[:NBUF]
        gsem = rest[NBUF:2 * NBUF]
        ssem = rest[2 * NBUF:]

        c = lax.axis_index("c")
        s = lax.axis_index("s")
        wid = s * nc + c

        @pl.when(s == 0)
        def _():
            pltpu.sync_copy(pe_hbm, tab_sh)

        plsc.subcore_barrier()

        pltpu.sync_copy(idx_hbm.at[pl.ds(wid * rpw, rpw)], idx_v)

        def gather_unit(u, b, h):
            r = u // 2
            off, sz = (0, H0) if h == 0 else (H0, H1)
            pltpu.async_copy(
                tab_sh.at[idx_v.at[r, pl.ds(off, sz)]], rows[b], gsem[b])

        for b in range(NBUF):
            gather_unit(b, b, b % 2)

        def outer(o, carry):
            for b in range(NBUF):
                u = o * NBUF + b
                h = b % 2
                off, sz = (0, H0) if h == 0 else (H0, H1)
                pltpu.make_async_copy(
                    out_hbm.at[0].at[pl.ds(0, sz)], rows[b], gsem[b]).wait()
                pltpu.async_copy(
                    rows[b],
                    out_hbm.at[wid * rpw + u // 2].at[pl.ds(off, sz)],
                    ssem[b])
            for b in range(NBUF):
                h = b % 2
                sz = H0 if h == 0 else H1
                pltpu.make_async_copy(
                    rows[b], out_hbm.at[0].at[pl.ds(0, sz)], ssem[b]).wait()

                @pl.when(o < n_outer - 1)
                def _():
                    gather_unit((o + 1) * NBUF + b, b, h)
            return carry

        lax.fori_loop(0, n_outer, outer, 0)

    return k(time.astype(jnp.int32), pe)

# --- scband reference (transcript-rebuilt; emitter-appended) ---
"""Pipeline reference for scband-positional-encoding-77309411421 (READ-ONLY COPY).

The authoritative reference and input builder live on the scoring server;
editing this copy changes nothing except your own understanding.
"""

import jax, jax.numpy as jnp
import numpy as np
import math

D_MODEL = 128
MAX_LEN = 366

def _build_pe():
    pe = np.zeros((MAX_LEN + 1, D_MODEL), dtype=np.float32)
    position = np.arange(0, MAX_LEN, dtype=np.float32)[:, None]
    div_term = np.exp(np.arange(0, D_MODEL, 2, dtype=np.float32) * -(math.log(10000.0) / D_MODEL))
    pe[1:, 0::2] = np.sin(position * div_term)
    pe[1:, 1::2] = np.cos(position * div_term)
    return jnp.asarray(pe)

def setup_inputs(seed: int = 0) -> dict:
    key = jax.random.key(seed)
    k_time, = jax.random.split(key, 1)
    time = jax.random.randint(k_time, (1024, 200), 0, MAX_LEN + 1, dtype=jnp.int64 if jax.config.read('jax_enable_x64') else jnp.int32)
    pe = _build_pe()
    return {"time": time, "pe": pe}

def reference(time, pe):
    # torch: stack([index_select(pe, 0, time[i]) for i in range(B)], dim=0) == pe[time]
    output = jnp.take(pe, time, axis=0)
    return output

if __name__ == "__main__":
    import jax
    _d = setup_inputs()
    print(jax.jit(kernel)(*tuple(_d.values())))

</pallas_src>

<mosaic_0001>
#map = affine_map<(d0, d1) -> (0, 0)>
#map1 = affine_map<(d0, d1) -> (0, 0, 0)>
module attributes {stable_mosaic.version = 14 : i64} {
  func.func @k(%arg0: i32, %arg1: i32, %arg2: memref<1024x200xi32, #tpu.memory_space<hbm>>, %arg3: memref<367x128xf32, #tpu.memory_space<hbm>>, %arg4: memref<1024x200x128xf32, #tpu.memory_space<hbm>>, %arg5: memref<367x128xf32, #tpu.memory_space<vmem_shared>>, %arg6: memref<32x200xi32, #tpu.memory_space<vmem>>, %arg7: memref<128x128xf32, #tpu.memory_space<vmem>>, %arg8: memref<72x128xf32, #tpu.memory_space<vmem>>, %arg9: memref<128x128xf32, #tpu.memory_space<vmem>>, %arg10: memref<72x128xf32, #tpu.memory_space<vmem>>, %arg11: memref<128x128xf32, #tpu.memory_space<vmem>>, %arg12: memref<72x128xf32, #tpu.memory_space<vmem>>, %arg13: memref<128x128xf32, #tpu.memory_space<vmem>>, %arg14: memref<72x128xf32, #tpu.memory_space<vmem>>, %arg15: memref<!tpu.dma_semaphore, #tpu.memory_space<semaphore_mem>>, %arg16: memref<!tpu.dma_semaphore, #tpu.memory_space<semaphore_mem>>, %arg17: memref<!tpu.dma_semaphore, #tpu.memory_space<semaphore_mem>>, %arg18: memref<!tpu.dma_semaphore, #tpu.memory_space<semaphore_mem>>, %arg19: memref<!tpu.dma_semaphore, #tpu.memory_space<semaphore_mem>>, %arg20: memref<!tpu.dma_semaphore, #tpu.memory_space<semaphore_mem>>, %arg21: memref<!tpu.dma_semaphore, #tpu.memory_space<semaphore_mem>>, %arg22: memref<!tpu.dma_semaphore, #tpu.memory_space<semaphore_mem>>, %arg23: memref<!tpu.dma_semaphore, #tpu.memory_space<semaphore_mem>>, %arg24: memref<!tpu.dma_semaphore, #tpu.memory_space<semaphore_mem>>, %arg25: memref<!tpu.dma_semaphore, #tpu.memory_space<semaphore_mem>>, %arg26: memref<!tpu.dma_semaphore, #tpu.memory_space<semaphore_mem>>, %arg27: memref<!tpu.dma_semaphore, #tpu.memory_space<semaphore_mem>>, %arg28: memref<!tpu.dma_semaphore, #tpu.memory_space<semaphore_mem>>, %arg29: memref<!tpu.dma_semaphore, #tpu.memory_space<semaphore_mem>>, %arg30: memref<!tpu.dma_semaphore, #tpu.memory_space<semaphore_mem>>) attributes {dimension_semantics = [#tpu.dimension_semantics<core_parallel>, #tpu.dimension_semantics<subcore_parallel>], iteration_bounds = array<i64: 2, 16>, scalar_prefetch = 0 : i64, scratch_operands = 26 : i64, tpu.core_type = #tpu.core_type<sc_vector_subcore>, window_params = [{transform_indices = #map}, {transform_indices = #map}, {transform_indices = #map1}]} {
    %mul3A = arith.constant 2 : i32
    %mul3A_0 = arith.muli %arg1, %mul3A : i32
    %add3A = arith.addi %mul3A_0, %arg0 : i32
    %eq3A = arith.constant 0 : i32
    %eq3A_1 = arith.cmpi eq, %arg1, %eq3A : i32
    %convert_element_type3A = arith.extui %eq3A_1 : i1 to i32
    %cond3A = arith.constant 0 : i32
    %cond3A_2 = arith.cmpi ne, %convert_element_type3A, %cond3A : i32
    scf.if %cond3A_2 {
      "tpu.region"() ({
        %run_scoped3A = tpu.sem_alloc : memref<!tpu.dma_semaphore, #tpu.memory_space<semaphore_mem>>
        tpu.enqueue_dma source(%arg3 : memref<367x128xf32, #tpu.memory_space<hbm>>) target(%arg5 : memref<367x128xf32, #tpu.memory_space<vmem_shared>>) target_semaphore(%run_scoped3A : memref<!tpu.dma_semaphore, #tpu.memory_space<semaphore_mem>>)
        tpu.wait_dma2 semaphore(%run_scoped3A : memref<!tpu.dma_semaphore, #tpu.memory_space<semaphore_mem>>) src(%arg3 : memref<367x128xf32, #tpu.memory_space<hbm>>) dst(%arg5 : memref<367x128xf32, #tpu.memory_space<vmem_shared>>)
        tpu.yield
      }) : () -> ()
    } else {
    }
    %barrier3A = arith.constant 0 : index
    tpu.barrier barrier_id(%barrier3A)
    %mul3A_3 = arith.constant 32 : i32
    %mul3A_4 = arith.muli %add3A, %mul3A_3 : i32
    "tpu.region"() ({
      %run_scoped3A = tpu.sem_alloc : memref<!tpu.dma_semaphore, #tpu.memory_space<semaphore_mem>>
      %dma_start3A_65 = arith.constant 0 : i32
      %dma_start3A_66 = tpu.memref_slice %arg2[%mul3A_4, %dma_start3A_65] : memref<1024x200xi32, #tpu.memory_space<hbm>> -> memref<32x200xi32, #tpu.memory_space<hbm>>
      %dma_start3A_67 = arith.constant 0 : i32
      %dma_start3A_68 = tpu.memref_slice %arg2[%mul3A_4, %dma_start3A_67] : memref<1024x200xi32, #tpu.memory_space<hbm>> -> memref<32x200xi32, #tpu.memory_space<hbm>>
      tpu.enqueue_dma source(%dma_start3A_68 : memref<32x200xi32, #tpu.memory_space<hbm>>) target(%arg6 : memref<32x200xi32, #tpu.memory_space<vmem>>) target_semaphore(%run_scoped3A : memref<!tpu.dma_semaphore, #tpu.memory_space<semaphore_mem>>)
      %dma_wait3A = arith.constant 0 : i32
      %dma_wait3A_69 = tpu.memref_slice %arg2[%mul3A_4, %dma_wait3A] : memref<1024x200xi32, #tpu.memory_space<hbm>> -> memref<32x200xi32, #tpu.memory_space<hbm>>
      %dma_wait3A_70 = arith.constant 0 : i32
      %dma_wait3A_71 = tpu.memref_slice %arg2[%mul3A_4, %dma_wait3A_70] : memref<1024x200xi32, #tpu.memory_space<hbm>> -> memref<32x200xi32, #tpu.memory_space<hbm>>
      tpu.wait_dma2 semaphore(%run_scoped3A : memref<!tpu.dma_semaphore, #tpu.memory_space<semaphore_mem>>) src(%dma_wait3A_71 : memref<32x200xi32, #tpu.memory_space<hbm>>) dst(%arg6 : memref<32x200xi32, #tpu.memory_space<vmem>>)
      tpu.yield
    }) : () -> ()
    %dma_start3A = arith.constant 0 : i32
    %dma_start3A_5 = arith.constant 0 : i32
    %dma_start3A_6 = tpu.memref_slice %arg6[%dma_start3A, %dma_start3A_5] : memref<32x200xi32, #tpu.memory_space<vmem>> -> memref<1x128xi32, #tpu.memory_space<vmem>>
    %dma_start3A_7 = tpu.memref_squeeze %dma_start3A_6 : memref<1x128xi32, #tpu.memory_space<vmem>> -> memref<128xi32, #tpu.memory_space<vmem>>
    %dma_start3A_8 = arith.constant 0 : i32
    %dma_start3A_9 = arith.constant 0 : i32
    %dma_start3A_10 = tpu.memref_slice %arg5[%dma_start3A_8, %dma_start3A_9] : memref<367x128xf32, #tpu.memory_space<vmem_shared>> -> memref<367x128xf32, #tpu.memory_space<vmem_shared>>
    tpu.enqueue_indirect_dma source(%dma_start3A_10 : memref<367x128xf32, #tpu.memory_space<vmem_shared>>) target(%arg7 : memref<128x128xf32, #tpu.memory_space<vmem>>) offsets(%dma_start3A_7 : memref<128xi32, #tpu.memory_space<vmem>>) semaphore(%arg15 : memref<!tpu.dma_semaphore, #tpu.memory_space<semaphore_mem>>)
    %dma_start3A_11 = arith.constant 0 : i32
    %dma_start3A_12 = arith.constant 128 : i32
    %dma_start3A_13 = tpu.memref_slice %arg6[%dma_start3A_11, %dma_start3A_12] : memref<32x200xi32, #tpu.memory_space<vmem>> -> memref<1x72xi32, #tpu.memory_space<vmem>>
    %dma_start3A_14 = tpu.memref_squeeze %dma_start3A_13 : memref<1x72xi32, #tpu.memory_space<vmem>> -> memref<72xi32, #tpu.memory_space<vmem>>
    %dma_start3A_15 = arith.constant 0 : i32
    %dma_start3A_16 = arith.constant 0 : i32
    %dma_start3A_17 = tpu.memref_slice %arg5[%dma_start3A_15, %dma_start3A_16] : memref<367x128xf32, #tpu.memory_space<vmem_shared>> -> memref<367x128xf32, #tpu.memory_space<vmem_shared>>
    tpu.enqueue_indirect_dma source(%dma_start3A_17 : memref<367x128xf32, #tpu.memory_space<vmem_shared>>) target(%arg8 : memref<72x128xf32, #tpu.memory_space<vmem>>) offsets(%dma_start3A_14 : memref<72xi32, #tpu.memory_space<vmem>>) semaphore(%arg16 : memref<!tpu.dma_semaphore, #tpu.memory_space<semaphore_mem>>)
    %dma_start3A_18 = arith.constant 1 : i32
    %dma_start3A_19 = arith.constant 0 : i32
    %dma_start3A_20 = tpu.memref_slice %arg6[%dma_start3A_18, %dma_start3A_19] : memref<32x200xi32, #tpu.memory_space<vmem>> -> memref<1x128xi32, #tpu.memory_space<vmem>>
    %dma_start3A_21 = tpu.memref_squeeze %dma_start3A_20 : memref<1x128xi32, #tpu.memory_space<vmem>> -> memref<128xi32, #tpu.memory_space<vmem>>
    %dma_start3A_22 = arith.constant 0 : i32
    %dma_start3A_23 = arith.constant 0 : i32
    %dma_start3A_24 = tpu.memref_slice %arg5[%dma_start3A_22, %dma_start3A_23] : memref<367x128xf32, #tpu.memory_space<vmem_shared>> -> memref<367x128xf32, #tpu.memory_space<vmem_shared>>
    tpu.enqueue_indirect_dma source(%dma_start3A_24 : memref<367x128xf32, #tpu.memory_space<vmem_shared>>) target(%arg9 : memref<128x128xf32, #tpu.memory_space<vmem>>) offsets(%dma_start3A_21 : memref<128xi32, #tpu.memory_space<vmem>>) semaphore(%arg17 : memref<!tpu.dma_semaphore, #tpu.memory_space<semaphore_mem>>)
    %dma_start3A_25 = arith.constant 1 : i32
    %dma_start3A_26 = arith.constant 128 : i32
    %dma_start3A_27 = tpu.memref_slice %arg6[%dma_start3A_25, %dma_start3A_26] : memref<32x200xi32, #tpu.memory_space<vmem>> -> memref<1x72xi32, #tpu.memory_space<vmem>>
    %dma_start3A_28 = tpu.memref_squeeze %dma_start3A_27 : memref<1x72xi32, #tpu.memory_space<vmem>> -> memref<72xi32, #tpu.memory_space<vmem>>
    %dma_start3A_29 = arith.constant 0 : i32
    %dma_start3A_30 = arith.constant 0 : i32
    %dma_start3A_31 = tpu.memref_slice %arg5[%dma_start3A_29, %dma_start3A_30] : memref<367x128xf32, #tpu.memory_space<vmem_shared>> -> memref<367x128xf32, #tpu.memory_space<vmem_shared>>
    tpu.enqueue_indirect_dma source(%dma_start3A_31 : memref<367x128xf32, #tpu.memory_space<vmem_shared>>) target(%arg10 : memref<72x128xf32, #tpu.memory_space<vmem>>) offsets(%dma_start3A_28 : memref<72xi32, #tpu.memory_space<vmem>>) semaphore(%arg18 : memref<!tpu.dma_semaphore, #tpu.memory_space<semaphore_mem>>)
    %dma_start3A_32 = arith.constant 2 : i32
    %dma_start3A_33 = arith.constant 0 : i32
    %dma_start3A_34 = tpu.memref_slice %arg6[%dma_start3A_32, %dma_start3A_33] : memref<32x200xi32, #tpu.memory_space<vmem>> -> memref<1x128xi32, #tpu.memory_space<vmem>>
    %dma_start3A_35 = tpu.memref_squeeze %dma_start3A_34 : memref<1x128xi32, #tpu.memory_space<vmem>> -> memref<128xi32, #tpu.memory_space<vmem>>
    %dma_start3A_36 = arith.constant 0 : i32
    %dma_start3A_37 = arith.constant 0 : i32
    %dma_start3A_38 = tpu.memref_slice %arg5[%dma_start3A_36, %dma_start3A_37] : memref<367x128xf32, #tpu.memory_space<vmem_shared>> -> memref<367x128xf32, #tpu.memory_space<vmem_shared>>
    tpu.enqueue_indirect_dma source(%dma_start3A_38 : memref<367x128xf32, #tpu.memory_space<vmem_shared>>) target(%arg11 : memref<128x128xf32, #tpu.memory_space<vmem>>) offsets(%dma_start3A_35 : memref<128xi32, #tpu.memory_space<vmem>>) semaphore(%arg19 : memref<!tpu.dma_semaphore, #tpu.memory_space<semaphore_mem>>)
    %dma_start3A_39 = arith.constant 2 : i32
    %dma_start3A_40 = arith.constant 128 : i32
    %dma_start3A_41 = tpu.memref_slice %arg6[%dma_start3A_39, %dma_start3A_40] : memref<32x200xi32, #tpu.memory_space<vmem>> -> memref<1x72xi32, #tpu.memory_space<vmem>>
    %dma_start3A_42 = tpu.memref_squeeze %dma_start3A_41 : memref<1x72xi32, #tpu.memory_space<vmem>> -> memref<72xi32, #tpu.memory_space<vmem>>
    %dma_start3A_43 = arith.constant 0 : i32
    %dma_start3A_44 = arith.constant 0 : i32
    %dma_start3A_45 = tpu.memref_slice %arg5[%dma_start3A_43, %dma_start3A_44] : memref<367x128xf32, #tpu.memory_space<vmem_shared>> -> memref<367x128xf32, #tpu.memory_space<vmem_shared>>
    tpu.enqueue_indirect_dma source(%dma_start3A_45 : memref<367x128xf32, #tpu.memory_space<vmem_shared>>) target(%arg12 : memref<72x128xf32, #tpu.memory_space<vmem>>) offsets(%dma_start3A_42 : memref<72xi32, #tpu.memory_space<vmem>>) semaphore(%arg20 : memref<!tpu.dma_semaphore, #tpu.memory_space<semaphore_mem>>)
    %dma_start3A_46 = arith.constant 3 : i32
    %dma_start3A_47 = arith.constant 0 : i32
    %dma_start3A_48 = tpu.memref_slice %arg6[%dma_start3A_46, %dma_start3A_47] : memref<32x200xi32, #tpu.memory_space<vmem>> -> memref<1x128xi32, #tpu.memory_space<vmem>>
    %dma_start3A_49 = tpu.memref_squeeze %dma_start3A_48 : memref<1x128xi32, #tpu.memory_space<vmem>> -> memref<128xi32, #tpu.memory_space<vmem>>
    %dma_start3A_50 = arith.constant 0 : i32
    %dma_start3A_51 = arith.constant 0 : i32
    %dma_start3A_52 = tpu.memref_slice %arg5[%dma_start3A_50, %dma_start3A_51] : memref<367x128xf32, #tpu.memory_space<vmem_shared>> -> memref<367x128xf32, #tpu.memory_space<vmem_shared>>
    tpu.enqueue_indirect_dma source(%dma_start3A_52 : memref<367x128xf32, #tpu.memory_space<vmem_shared>>) target(%arg13 : memref<128x128xf32, #tpu.memory_space<vmem>>) offsets(%dma_start3A_49 : memref<128xi32, #tpu.memory_space<vmem>>) semaphore(%arg21 : memref<!tpu.dma_semaphore, #tpu.memory_space<semaphore_mem>>)
    %dma_start3A_53 = arith.constant 3 : i32
    %dma_start3A_54 = arith.constant 128 : i32
    %dma_start3A_55 = tpu.memref_slice %arg6[%dma_start3A_53, %dma_start3A_54] : memref<32x200xi32, #tpu.memory_space<vmem>> -> memref<1x72xi32, #tpu.memory_space<vmem>>
    %dma_start3A_56 = tpu.memref_squeeze %dma_start3A_55 : memref<1x72xi32, #tpu.memory_space<vmem>> -> memref<72xi32, #tpu.memory_space<vmem>>
    %dma_start3A_57 = arith.constant 0 : i32
    %dma_start3A_58 = arith.constant 0 : i32
    %dma_start3A_59 = tpu.memref_slice %arg5[%dma_start3A_57, %dma_start3A_58] : memref<367x128xf32, #tpu.memory_space<vmem_shared>> -> memref<367x128xf32, #tpu.memory_space<vmem_shared>>
    tpu.enqueue_indirect_dma source(%dma_start3A_59 : memref<367x128xf32, #tpu.memory_space<vmem_shared>>) target(%arg14 : memref<72x128xf32, #tpu.memory_space<vmem>>) offsets(%dma_start3A_56 : memref<72xi32, #tpu.memory_space<vmem>>) semaphore(%arg22 : memref<!tpu.dma_semaphore, #tpu.memory_space<semaphore_mem>>)
    %scan3A = arith.constant 0 : i32
    %scan3A_60 = arith.constant 0 : i32
    %scan3A_61 = arith.constant 8 : i32
    %scan3A_62 = arith.addi %scan3A_60, %scan3A_61 : i32
    %scan3A_63 = arith.constant 1 : i32
    scf.for %scan3A_65 = %scan3A_60 to %scan3A_62 step %scan3A_63  : i32 {
      %mul3A_66 = arith.constant 8 : i32
      %mul3A_67 = arith.muli %scan3A_65, %mul3A_66 : i32
      %add3A_68 = arith.constant 0 : i32
      %add3A_69 = arith.addi %mul3A_67, %add3A_68 : i32
      %dma_wait3A = arith.constant 0 : i32
      %dma_wait3A_70 = arith.constant 0 : i32
      %dma_wait3A_71 = arith.constant 0 : i32
      %dma_wait3A_72 = tpu.memref_slice %arg4[%dma_wait3A, %dma_wait3A_70, %dma_wait3A_71] : memref<1024x200x128xf32, #tpu.memory_space<hbm>> -> memref<1x200x128xf32, #tpu.memory_space<hbm>>
      %dma_wait3A_73 = tpu.memref_squeeze %dma_wait3A_72 : memref<1x200x128xf32, #tpu.memory_space<hbm>> -> memref<200x128xf32, #tpu.memory_space<hbm>>
      %dma_wait3A_74 = arith.constant 0 : i32
      %dma_wait3A_75 = arith.constant 0 : i32
      %dma_wait3A_76 = tpu.memref_slice %dma_wait3A_73[%dma_wait3A_74, %dma_wait3A_75] : memref<200x128xf32, #tpu.memory_space<hbm>> -> memref<128x128xf32, #tpu.memory_space<hbm>>
      %dma_wait3A_77 = arith.constant 0 : i32
      %dma_wait3A_78 = arith.constant 0 : i32
      %dma_wait3A_79 = tpu.memref_slice %arg4[%dma_wait3A, %dma_wait3A_77, %dma_wait3A_78] : memref<1024x200x128xf32, #tpu.memory_space<hbm>> -> memref<1x200x128xf32, #tpu.memory_space<hbm>>
      %dma_wait3A_80 = tpu.memref_squeeze %dma_wait3A_79 : memref<1x200x128xf32, #tpu.memory_space<hbm>> -> memref<200x128xf32, #tpu.memory_space<hbm>>
      %dma_wait3A_81 = arith.constant 0 : i32
      %dma_wait3A_82 = arith.constant 0 : i32
      %dma_wait3A_83 = tpu.memref_slice %dma_wait3A_80[%dma_wait3A_81, %dma_wait3A_82] : memref<200x128xf32, #tpu.memory_space<hbm>> -> memref<128x128xf32, #tpu.memory_space<hbm>>
      tpu.wait_dma2 semaphore(%arg15 : memref<!tpu.dma_semaphore, #tpu.memory_space<semaphore_mem>>) src(%dma_wait3A_83 : memref<128x128xf32, #tpu.memory_space<hbm>>) dst(%arg7 : memref<128x128xf32, #tpu.memory_space<vmem>>)
      %mul3A_84 = arith.constant 32 : i32
      %mul3A_85 = arith.muli %add3A, %mul3A_84 : i32
      %jit3A = arith.constant 2 : i32
      %div3A = arith.divsi %add3A_69, %jit3A : i32
      %sign3A = arith.constant 0 : i32
      %sign3A_86 = arith.cmpi sgt, %add3A_69, %sign3A : i32
      %sign3A_87 = arith.extui %sign3A_86 : i1 to i32
      %sign3A_88 = arith.constant 0 : i32
      %sign3A_89 = arith.cmpi slt, %add3A_69, %sign3A_88 : i32
      %sign3A_90 = arith.extui %sign3A_89 : i1 to i32
      %sign3A_91 = arith.subi %sign3A_87, %sign3A_90 : i32
      %sign3A_92 = arith.constant 0 : i32
      %sign3A_93 = arith.cmpi sgt, %jit3A, %sign3A_92 : i32
      %sign3A_94 = arith.extui %sign3A_93 : i1 to i32
      %sign3A_95 = arith.constant 0 : i32
      %sign3A_96 = arith.cmpi slt, %jit3A, %sign3A_95 : i32
      %sign3A_97 = arith.extui %sign3A_96 : i1 to i32
      %sign3A_98 = arith.subi %sign3A_94, %sign3A_97 : i32
      %ne3A = arith.cmpi ne, %sign3A_91, %sign3A_98 : i32
      %rem3A = arith.remsi %add3A_69, %jit3A : i32
      %ne3A_99 = arith.constant 0 : i32
      %ne3A_100 = arith.cmpi ne, %rem3A, %ne3A_99 : i32
      %and3A = arith.andi %ne3A, %ne3A_100 : i1
      %sub3A = arith.constant 1 : i32
      %sub3A_101 = arith.subi %div3A, %sub3A : i32
      %select_n3A = arith.select %and3A, %sub3A_101, %div3A : i32
      %add3A_102 = arith.addi %mul3A_85, %select_n3A : i32
      %dma_start3A_103 = arith.constant 0 : i32
      %dma_start3A_104 = arith.constant 0 : i32
      %dma_start3A_105 = tpu.memref_slice %arg4[%add3A_102, %dma_start3A_103, %dma_start3A_104] : memref<1024x200x128xf32, #tpu.memory_space<hbm>> -> memref<1x200x128xf32, #tpu.memory_space<hbm>>
      %dma_start3A_106 = tpu.memref_squeeze %dma_start3A_105 : memref<1x200x128xf32, #tpu.memory_space<hbm>> -> memref<200x128xf32, #tpu.memory_space<hbm>>
      %dma_start3A_107 = arith.constant 0 : i32
      %dma_start3A_108 = arith.constant 0 : i32
      %dma_start3A_109 = tpu.memref_slice %dma_start3A_106[%dma_start3A_107, %dma_start3A_108] : memref<200x128xf32, #tpu.memory_space<hbm>> -> memref<128x128xf32, #tpu.memory_space<hbm>>
      %dma_start3A_110 = arith.constant 0 : i32
      %dma_start3A_111 = arith.constant 0 : i32
      %dma_start3A_112 = tpu.memref_slice %arg4[%add3A_102, %dma_start3A_110, %dma_start3A_111] : memref<1024x200x128xf32, #tpu.memory_space<hbm>> -> memref<1x200x128xf32, #tpu.memory_space<hbm>>
      %dma_start3A_113 = tpu.memref_squeeze %dma_start3A_112 : memref<1x200x128xf32, #tpu.memory_space<hbm>> -> memref<200x128xf32, #tpu.memory_space<hbm>>
      %dma_start3A_114 = arith.constant 0 : i32
      %dma_start3A_115 = arith.constant 0 : i32
      %dma_start3A_116 = tpu.memref_slice %dma_start3A_113[%dma_start3A_114, %dma_start3A_115] : memref<200x128xf32, #tpu.memory_space<hbm>> -> memref<128x128xf32, #tpu.memory_space<hbm>>
      tpu.enqueue_dma source(%arg7 : memref<128x128xf32, #tpu.memory_space<vmem>>) target(%dma_start3A_116 : memref<128x128xf32, #tpu.memory_space<hbm>>) target_semaphore(%arg23 : memref<!tpu.dma_semaphore, #tpu.memory_space<semaphore_mem>>)
      %mul3A_117 = arith.constant 8 : i32
      %mul3A_118 = arith.muli %scan3A_65, %mul3A_117 : i32
      %add3A_119 = arith.constant 1 : i32
      %add3A_120 = arith.addi %mul3A_118, %add3A_119 : i32
      %dma_wait3A_121 = arith.constant 0 : i32
      %dma_wait3A_122 = arith.constant 0 : i32
      %dma_wait3A_123 = arith.constant 0 : i32
      %dma_wait3A_124 = tpu.memref_slice %arg4[%dma_wait3A_121, %dma_wait3A_122, %dma_wait3A_123] : memref<1024x200x128xf32, #tpu.memory_space<hbm>> -> memref<1x200x128xf32, #tpu.memory_space<hbm>>
      %dma_wait3A_125 = tpu.memref_squeeze %dma_wait3A_124 : memref<1x200x128xf32, #tpu.memory_space<hbm>> -> memref<200x128xf32, #tpu.memory_space<hbm>>
      %dma_wait3A_126 = arith.constant 0 : i32
      %dma_wait3A_127 = arith.constant 0 : i32
      %dma_wait3A_128 = tpu.memref_slice %dma_wait3A_125[%dma_wait3A_126, %dma_wait3A_127] : memref<200x128xf32, #tpu.memory_space<hbm>> -> memref<72x128xf32, #tpu.memory_space<hbm>>
      %dma_wait3A_129 = arith.constant 0 : i32
      %dma_wait3A_130 = arith.constant 0 : i32
      %dma_wait3A_131 = tpu.memref_slice %arg4[%dma_wait3A_121, %dma_wait3A_129, %dma_wait3A_130] : memref<1024x200x128xf32, #tpu.memory_space<hbm>> -> memref<1x200x128xf32, #tpu.memory_space<hbm>>
      %dma_wait3A_132 = tpu.memref_squeeze %dma_wait3A_131 : memref<1x200x128xf32, #tpu.memory_space<hbm>> -> memref<200x128xf32, #tpu.memory_space<hbm>>
      %dma_wait3A_133 = arith.constant 0 : i32
      %dma_wait3A_134 = arith.constant 0 : i32
      %dma_wait3A_135 = tpu.memref_slice %dma_wait3A_132[%dma_wait3A_133, %dma_wait3A_134] : memref<200x128xf32, #tpu.memory_space<hbm>> -> memref<72x128xf32, #tpu.memory_space<hbm>>
      tpu.wait_dma2 semaphore(%arg16 : memref<!tpu.dma_semaphore, #tpu.memory_space<semaphore_mem>>) src(%dma_wait3A_135 : memref<72x128xf32, #tpu.memory_space<hbm>>) dst(%arg8 : memref<72x128xf32, #tpu.memory_space<vmem>>)
      %mul3A_136 = arith.constant 32 : i32
      %mul3A_137 = arith.muli %add3A, %mul3A_136 : i32
      %jit3A_138 = arith.constant 2 : i32
      %div3A_139 = arith.divsi %add3A_120, %jit3A_138 : i32
      %sign3A_140 = arith.constant 0 : i32
      %sign3A_141 = arith.cmpi sgt, %add3A_120, %sign3A_140 : i32
      %sign3A_142 = arith.extui %sign3A_141 : i1 to i32
      %sign3A_143 = arith.constant 0 : i32
      %sign3A_144 = arith.cmpi slt, %add3A_120, %sign3A_143 : i32
      %sign3A_145 = arith.extui %sign3A_144 : i1 to i32
      %sign3A_146 = arith.subi %sign3A_142, %sign3A_145 : i32
      %sign3A_147 = arith.constant 0 : i32
      %sign3A_148 = arith.cmpi sgt, %jit3A_138, %sign3A_147 : i32
      %sign3A_149 = arith.extui %sign3A_148 : i1 to i32
      %sign3A_150 = arith.constant 0 : i32
      %sign3A_151 = arith.cmpi slt, %jit3A_138, %sign3A_150 : i32
      %sign3A_152 = arith.extui %sign3A_151 : i1 to i32
      %sign3A_153 = arith.subi %sign3A_149, %sign3A_152 : i32
      %ne3A_154 = arith.cmpi ne, %sign3A_146, %sign3A_153 : i32
      %rem3A_155 = arith.remsi %add3A_120, %jit3A_138 : i32
      %ne3A_156 = arith.constant 0 : i32
      %ne3A_157 = arith.cmpi ne, %rem3A_155, %ne3A_156 : i32
      %and3A_158 = arith.andi %ne3A_154, %ne3A_157 : i1
      %sub3A_159 = arith.constant 1 : i32
      %sub3A_160 = arith.subi %div3A_139, %sub3A_159 : i32
      %select_n3A_161 = arith.select %and3A_158, %sub3A_160, %div3A_139 : i32
      %add3A_162 = arith.addi %mul3A_137, %select_n3A_161 : i32
      %dma_start3A_163 = arith.constant 0 : i32
      %dma_start3A_164 = arith.constant 0 : i32
      %dma_start3A_165 = tpu.memref_slice %arg4[%add3A_162, %dma_start3A_163, %dma_start3A_164] : memref<1024x200x128xf32, #tpu.memory_space<hbm>> -> memref<1x200x128xf32, #tpu.memory_space<hbm>>
      %dma_start3A_166 = tpu.memref_squeeze %dma_start3A_165 : memref<1x200x128xf32, #tpu.memory_space<hbm>> -> memref<200x128xf32, #tpu.memory_space<hbm>>
      %dma_start3A_167 = arith.constant 128 : i32
      %dma_start3A_168 = arith.constant 0 : i32
      %dma_start3A_169 = tpu.memref_slice %dma_start3A_166[%dma_start3A_167, %dma_start3A_168] : memref<200x128xf32, #tpu.memory_space<hbm>> -> memref<72x128xf32, #tpu.memory_space<hbm>>
      %dma_start3A_170 = arith.constant 0 : i32
      %dma_start3A_171 = arith.constant 0 : i32
      %dma_start3A_172 = tpu.memref_slice %arg4[%add3A_162, %dma_start3A_170, %dma_start3A_171] : memref<1024x200x128xf32, #tpu.memory_space<hbm>> -> memref<1x200x128xf32, #tpu.memory_space<hbm>>
      %dma_start3A_173 = tpu.memref_squeeze %dma_start3A_172 : memref<1x200x128xf32, #tpu.memory_space<hbm>> -> memref<200x128xf32, #tpu.memory_space<hbm>>
      %dma_start3A_174 = arith.constant 128 : i32
      %dma_start3A_175 = arith.constant 0 : i32
      %dma_start3A_176 = tpu.memref_slice %dma_start3A_173[%dma_start3A_174, %dma_start3A_175] : memref<200x128xf32, #tpu.memory_space<hbm>> -> memref<72x128xf32, #tpu.memory_space<hbm>>
      tpu.enqueue_dma source(%arg8 : memref<72x128xf32, #tpu.memory_space<vmem>>) target(%dma_start3A_176 : memref<72x128xf32, #tpu.memory_space<hbm>>) target_semaphore(%arg24 : memref<!tpu.dma_semaphore, #tpu.memory_space<semaphore_mem>>)
      %mul3A_177 = arith.constant 8 : i32
      %mul3A_178 = arith.muli %scan3A_65, %mul3A_177 : i32
      %add3A_179 = arith.constant 2 : i32
      %add3A_180 = arith.addi %mul3A_178, %add3A_179 : i32
      %dma_wait3A_181 = arith.constant 0 : i32
      %dma_wait3A_182 = arith.constant 0 : i32
      %dma_wait3A_183 = arith.constant 0 : i32
      %dma_wait3A_184 = tpu.memref_slice %arg4[%dma_wait3A_181, %dma_wait3A_182, %dma_wait3A_183] : memref<1024x200x128xf32, #tpu.memory_space<hbm>> -> memref<1x200x128xf32, #tpu.memory_space<hbm>>
      %dma_wait3A_185 = tpu.memref_squeeze %dma_wait3A_184 : memref<1x200x128xf32, #tpu.memory_space<hbm>> -> memref<200x128xf32, #tpu.memory_space<hbm>>
      %dma_wait3A_186 = arith.constant 0 : i32
      %dma_wait3A_187 = arith.constant 0 : i32
      %dma_wait3A_188 = tpu.memref_slice %dma_wait3A_185[%dma_wait3A_186, %dma_wait3A_187] : memref<200x128xf32, #tpu.memory_space<hbm>> -> memref<128x128xf32, #tpu.memory_space<hbm>>
      %dma_wait3A_189 = arith.constant 0 : i32
      %dma_wait3A_190 = arith.constant 0 : i32
      %dma_wait3A_191 = tpu.memref_slice %arg4[%dma_wait3A_181, %dma_wait3A_189, %dma_wait3A_190] : memref<1024x200x128xf32, #tpu.memory_space<hbm>> -> memref<1x200x128xf32, #tpu.memory_space<hbm>>
      %dma_wait3A_192 = tpu.memref_squeeze %dma_wait3A_191 : memref<1x200x128xf32, #tpu.memory_space<hbm>> -> memref<200x128xf32, #tpu.memory_space<hbm>>
      %dma_wait3A_193 = arith.constant 0 : i32
      %dma_wait3A_194 = arith.constant 0 : i32
      %dma_wait3A_195 = tpu.memref_slice %dma_wait3A_192[%dma_wait3A_193, %dma_wait3A_194] : memref<200x128xf32, #tpu.memory_space<hbm>> -> memref<128x128xf32, #tpu.memory_space<hbm>>
      tpu.wait_dma2 semaphore(%arg17 : memref<!tpu.dma_semaphore, #tpu.memory_space<semaphore_mem>>) src(%dma_wait3A_195 : memref<128x128xf32, #tpu.memory_space<hbm>>) dst(%arg9 : memref<128x128xf32, #tpu.memory_space<vmem>>)
      %mul3A_196 = arith.constant 32 : i32
      %mul3A_197 = arith.muli %add3A, %mul3A_196 : i32
      %jit3A_198 = arith.constant 2 : i32
      %div3A_199 = arith.divsi %add3A_180, %jit3A_198 : i32
      %sign3A_200 = arith.constant 0 : i32
      %sign3A_201 = arith.cmpi sgt, %add3A_180, %sign3A_200 : i32
      %sign3A_202 = arith.extui %sign3A_201 : i1 to i32
      %sign3A_203 = arith.constant 0 : i32
      %sign3A_204 = arith.cmpi slt, %add3A_180, %sign3A_203 : i32
      %sign3A_205 = arith.extui %sign3A_204 : i1 to i32
      %sign3A_206 = arith.subi %sign3A_202, %sign3A_205 : i32
      %sign3A_207 = arith.constant 0 : i32
      %sign3A_208 = arith.cmpi sgt, %jit3A_198, %sign3A_207 : i32
      %sign3A_209 = arith.extui %sign3A_208 : i1 to i32
      %sign3A_210 = arith.constant 0 : i32
      %sign3A_211 = arith.cmpi slt, %jit3A_198, %sign3A_210 : i32
      %sign3A_212 = arith.extui %sign3A_211 : i1 to i32
      %sign3A_213 = arith.subi %sign3A_209, %sign3A_212 : i32
      %ne3A_214 = arith.cmpi ne, %sign3A_206, %sign3A_213 : i32
      %rem3A_215 = arith.remsi %add3A_180, %jit3A_198 : i32
      %ne3A_216 = arith.constant 0 : i32
      %ne3A_217 = arith.cmpi ne, %rem3A_215, %ne3A_216 : i32
      %and3A_218 = arith.andi %ne3A_214, %ne3A_217 : i1
      %sub3A_219 = arith.constant 1 : i32
      %sub3A_220 = arith.subi %div3A_199, %sub3A_219 : i32
      %select_n3A_221 = arith.select %and3A_218, %sub3A_220, %div3A_199 : i32
      %add3A_222 = arith.addi %mul3A_197, %select_n3A_221 : i32
      %dma_start3A_223 = arith.constant 0 : i32
      %dma_start3A_224 = arith.constant 0 : i32
      %dma_start3A_225 = tpu.memref_slice %arg4[%add3A_222, %dma_start3A_223, %dma_start3A_224] : memref<1024x200x128xf32, #tpu.memory_space<hbm>> -> memref<1x200x128xf32, #tpu.memory_space<hbm>>
      %dma_start3A_226 = tpu.memref_squeeze %dma_start3A_225 : memref<1x200x128xf32, #tpu.memory_space<hbm>> -> memref<200x128xf32, #tpu.memory_space<hbm>>
      %dma_start3A_227 = arith.constant 0 : i32
      %dma_start3A_228 = arith.constant 0 : i32
      %dma_start3A_229 = tpu.memref_slice %dma_start3A_226[%dma_start3A_227, %dma_start3A_228] : memref<200x128xf32, #tpu.memory_space<hbm>> -> memref<128x128xf32, #tpu.memory_space<hbm>>
      %dma_start3A_230 = arith.constant 0 : i32
      %dma_start3A_231 = arith.constant 0 : i32
      %dma_start3A_232 = tpu.memref_slice %arg4[%add3A_222, %dma_start3A_230, %dma_start3A_231] : memref<1024x200x128xf32, #tpu.memory_space<hbm>> -> memref<1x200x128xf32, #tpu.memory_space<hbm>>
      %dma_start3A_233 = tpu.memref_squeeze %dma_start3A_232 : memref<1x200x128xf32, #tpu.memory_space<hbm>> -> memref<200x128xf32, #tpu.memory_space<hbm>>
      %dma_start3A_234 = arith.constant 0 : i32
      %dma_start3A_235 = arith.constant 0 : i32
      %dma_start3A_236 = tpu.memref_slice %dma_start3A_233[%dma_start3A_234, %dma_start3A_235] : memref<200x128xf32, #tpu.memory_space<hbm>> -> memref<128x128xf32, #tpu.memory_space<hbm>>
      tpu.enqueue_dma source(%arg9 : memref<128x128xf32, #tpu.memory_space<vmem>>) target(%dma_start3A_236 : memref<128x128xf32, #tpu.memory_space<hbm>>) target_semaphore(%arg25 : memref<!tpu.dma_semaphore, #tpu.memory_space<semaphore_mem>>)
      %mul3A_237 = arith.constant 8 : i32
      %mul3A_238 = arith.muli %scan3A_65, %mul3A_237 : i32
      %add3A_239 = arith.constant 3 : i32
      %add3A_240 = arith.addi %mul3A_238, %add3A_239 : i32
      %dma_wait3A_241 = arith.constant 0 : i32
      %dma_wait3A_242 = arith.constant 0 : i32
      %dma_wait3A_243 = arith.constant 0 : i32
      %dma_wait3A_244 = tpu.memref_slice %arg4[%dma_wait3A_241, %dma_wait3A_242, %dma_wait3A_243] : memref<1024x200x128xf32, #tpu.memory_space<hbm>> -> memref<1x200x128xf32, #tpu.memory_space<hbm>>
      %dma_wait3A_245 = tpu.memref_squeeze %dma_wait3A_244 : memref<1x200x128xf32, #tpu.memory_space<hbm>> -> memref<200x128xf32, #tpu.memory_space<hbm>>
      %dma_wait3A_246 = arith.constant 0 : i32
      %dma_wait3A_247 = arith.constant 0 : i32
      %dma_wait3A_248 = tpu.memref_slice %dma_wait3A_245[%dma_wait3A_246, %dma_wait3A_247] : memref<200x128xf32, #tpu.memory_space<hbm>> -> memref<72x128xf32, #tpu.memory_space<hbm>>
      %dma_wait3A_249 = arith.constant 0 : i32
      %dma_wait3A_250 = arith.constant 0 : i32
      %dma_wait3A_251 = tpu.memref_slice %arg4[%dma_wait3A_241, %dma_wait3A_249, %dma_wait3A_250] : memref<1024x200x128xf32, #tpu.memory_space<hbm>> -> memref<1x200x128xf32, #tpu.memory_space<hbm>>
      %dma_wait3A_252 = tpu.memref_squeeze %dma_wait3A_251 : memref<1x200x128xf32, #tpu.memory_space<hbm>> -> memref<200x128xf32, #tpu.memory_space<hbm>>
      %dma_wait3A_253 = arith.constant 0 : i32
      %dma_wait3A_254 = arith.constant 0 : i32
      %dma_wait3A_255 = tpu.memref_slice %dma_wait3A_252[%dma_wait3A_253, %dma_wait3A_254] : memref<200x128xf32, #tpu.memory_space<hbm>> -> memref<72x128xf32, #tpu.memory_space<hbm>>
      tpu.wait_dma2 semaphore(%arg18 : memref<!tpu.dma_semaphore, #tpu.memory_space<semaphore_mem>>) src(%dma_wait3A_255 : memref<72x128xf32, #tpu.memory_space<hbm>>) dst(%arg10 : memref<72x128xf32, #tpu.memory_space<vmem>>)
      %mul3A_256 = arith.constant 32 : i32
      %mul3A_257 = arith.muli %add3A, %mul3A_256 : i32
      %jit3A_258 = arith.constant 2 : i32
      %div3A_259 = arith.divsi %add3A_240, %jit3A_258 : i32
      %sign3A_260 = arith.constant 0 : i32
      %sign3A_261 = arith.cmpi sgt, %add3A_240, %sign3A_260 : i32
      %sign3A_262 = arith.extui %sign3A_261 : i1 to i32
      %sign3A_263 = arith.constant 0 : i32
      %sign3A_264 = arith.cmpi slt, %add3A_240, %sign3A_263 : i32
      %sign3A_265 = arith.extui %sign3A_264 : i1 to i32
      %sign3A_266 = arith.subi %sign3A_262, %sign3A_265 : i32
      %sign3A_267 = arith.constant 0 : i32
      %sign3A_268 = arith.cmpi sgt, %jit3A_258, %sign3A_267 : i32
      %sign3A_269 = arith.extui %sign3A_268 : i1 to i32
      %sign3A_270 = arith.constant 0 : i32
      %sign3A_271 = arith.cmpi slt, %jit3A_258, %sign3A_270 : i32
      %sign3A_272 = arith.extui %sign3A_271 : i1 to i32
      %sign3A_273 = arith.subi %sign3A_269, %sign3A_272 : i32
      %ne3A_274 = arith.cmpi ne, %sign3A_266, %sign3A_273 : i32
      %rem3A_275 = arith.remsi %add3A_240, %jit3A_258 : i32
      %ne3A_276 = arith.constant 0 : i32
      %ne3A_277 = arith.cmpi ne, %rem3A_275, %ne3A_276 : i32
      %and3A_278 = arith.andi %ne3A_274, %ne3A_277 : i1
      %sub3A_279 = arith.constant 1 : i32
      %sub3A_280 = arith.subi %div3A_259, %sub3A_279 : i32
      %select_n3A_281 = arith.select %and3A_278, %sub3A_280, %div3A_259 : i32
      %add3A_282 = arith.addi %mul3A_257, %select_n3A_281 : i32
      %dma_start3A_283 = arith.constant 0 : i32
      %dma_start3A_284 = arith.constant 0 : i32
      %dma_start3A_285 = tpu.memref_slice %arg4[%add3A_282, %dma_start3A_283, %dma_start3A_284] : memref<1024x200x128xf32, #tpu.memory_space<hbm>> -> memref<1x200x128xf32, #tpu.memory_space<hbm>>
      %dma_start3A_286 = tpu.memref_squeeze %dma_start3A_285 : memref<1x200x128xf32, #tpu.memory_space<hbm>> -> memref<200x128xf32, #tpu.memory_space<hbm>>
      %dma_start3A_287 = arith.constant 128 : i32
      %dma_start3A_288 = arith.constant 0 : i32
      %dma_start3A_289 = tpu.memref_slice %dma_start3A_286[%dma_start3A_287, %dma_start3A_288] : memref<200x128xf32, #tpu.memory_space<hbm>> -> memref<72x128xf32, #tpu.memory_space<hbm>>
      %dma_start3A_290 = arith.constant 0 : i32
      %dma_start3A_291 = arith.constant 0 : i32
      %dma_start3A_292 = tpu.memref_slice %arg4[%add3A_282, %dma_start3A_290, %dma_start3A_291] : memref<1024x200x128xf32, #tpu.memory_space<hbm>> -> memref<1x200x128xf32, #tpu.memory_space<hbm>>
      %dma_start3A_293 = tpu.memref_squeeze %dma_start3A_292 : memref<1x200x128xf32, #tpu.memory_space<hbm>> -> memref<200x128xf32, #tpu.memory_space<hbm>>
      %dma_start3A_294 = arith.constant 128 : i32
      %dma_start3A_295 = arith.constant 0 : i32
      %dma_start3A_296 = tpu.memref_slice %dma_start3A_293[%dma_start3A_294, %dma_start3A_295] : memref<200x128xf32, #tpu.memory_space<hbm>> -> memref<72x128xf32, #tpu.memory_space<hbm>>
      tpu.enqueue_dma source(%arg10 : memref<72x128xf32, #tpu.memory_space<vmem>>) target(%dma_start3A_296 : memref<72x128xf32, #tpu.memory_space<hbm>>) target_semaphore(%arg26 : memref<!tpu.dma_semaphore, #tpu.memory_space<semaphore_mem>>)
      %mul3A_297 = arith.constant 8 : i32
      %mul3A_298 = arith.muli %scan3A_65, %mul3A_297 : i32
      %add3A_299 = arith.constant 4 : i32
      %add3A_300 = arith.addi %mul3A_298, %add3A_299 : i32
      %dma_wait3A_301 = arith.constant 0 : i32
      %dma_wait3A_302 = arith.constant 0 : i32
      %dma_wait3A_303 = arith.constant 0 : i32
      %dma_wait3A_304 = tpu.memref_slice %arg4[%dma_wait3A_301, %dma_wait3A_302, %dma_wait3A_303] : memref<1024x200x128xf32, #tpu.memory_space<hbm>> -> memref<1x200x128xf32, #tpu.memory_space<hbm>>
      %dma_wait3A_305 = tpu.memref_squeeze %dma_wait3A_304 : memref<1x200x128xf32, #tpu.memory_space<hbm>> -> memref<200x128xf32, #tpu.memory_space<hbm>>
      %dma_wait3A_306 = arith.constant 0 : i32
      %dma_wait3A_307 = arith.constant 0 : i32
      %dma_wait3A_308 = tpu.memref_slice %dma_wait3A_305[%dma_wait3A_306, %dma_wait3A_307] : memref<200x128xf32, #tpu.memory_space<hbm>> -> memref<128x128xf32, #tpu.memory_space<hbm>>
      %dma_wait3A_309 = arith.constant 0 : i32
      %dma_wait3A_310 = arith.constant 0 : i32
      %dma_wait3A_311 = tpu.memref_slice %arg4[%dma_wait3A_301, %dma_wait3A_309, %dma_wait3A_310] : memref<1024x200x128xf32, #tpu.memory_space<hbm>> -> memref<1x200x128xf32, #tpu.memory_space<hbm>>
      %dma_wait3A_312 = tpu.memref_squeeze %dma_wait3A_311 : memref<1x200x128xf32, #tpu.memory_space<hbm>> -> memref<200x128xf32, #tpu.memory_space<hbm>>
      %dma_wait3A_313 = arith.constant 0 : i32
      %dma_wait3A_314 = arith.constant 0 : i32
      %dma_wait3A_315 = tpu.memref_slice %dma_wait3A_312[%dma_wait3A_313, %dma_wait3A_314] : memref<200x128xf32, #tpu.memory_space<hbm>> -> memref<128x128xf32, #tpu.memory_space<hbm>>
      tpu.wait_dma2 semaphore(%arg19 : memref<!tpu.dma_semaphore, #tpu.memory_space<semaphore_mem>>) src(%dma_wait3A_315 : memref<128x128xf32, #tpu.memory_space<hbm>>) dst(%arg11 : memref<128x128xf32, #tpu.memory_space<vmem>>)
      %mul3A_316 = arith.constant 32 : i32
      %mul3A_317 = arith.muli %add3A, %mul3A_316 : i32
      %jit3A_318 = arith.constant 2 : i32
      %div3A_319 = arith.divsi %add3A_300, %jit3A_318 : i32
      %sign3A_320 = arith.constant 0 : i32
      %sign3A_321 = arith.cmpi sgt, %add3A_300, %sign3A_320 : i32
      %sign3A_322 = arith.extui %sign3A_321 : i1 to i32
      %sign3A_323 = arith.constant 0 : i32
      %sign3A_324 = arith.cmpi slt, %add3A_300, %sign3A_323 : i32
      %sign3A_325 = arith.extui %sign3A_324 : i1 to i32
      %sign3A_326 = arith.subi %sign3A_322, %sign3A_325 : i32
      %sign3A_327 = arith.constant 0 : i32
      %sign3A_328 = arith.cmpi sgt, %jit3A_318, %sign3A_327 : i32
      %sign3A_329 = arith.extui %sign3A_328 : i1 to i32
      %sign3A_330 = arith.constant 0 : i32
      %sign3A_331 = arith.cmpi slt, %jit3A_318, %sign3A_330 : i32
      %sign3A_332 = arith.extui %sign3A_331 : i1 to i32
      %sign3A_333 = arith.subi %sign3A_329, %sign3A_332 : i32
      %ne3A_334 = arith.cmpi ne, %sign3A_326, %sign3A_333 : i32
      %rem3A_335 = arith.remsi %add3A_300, %jit3A_318 : i32
      %ne3A_336 = arith.constant 0 : i32
      %ne3A_337 = arith.cmpi ne, %rem3A_335, %ne3A_336 : i32
      %and3A_338 = arith.andi %ne3A_334, %ne3A_337 : i1
      %sub3A_339 = arith.constant 1 : i32
      %sub3A_340 = arith.subi %div3A_319, %sub3A_339 : i32
      %select_n3A_341 = arith.select %and3A_338, %sub3A_340, %div3A_319 : i32
      %add3A_342 = arith.addi %mul3A_317, %select_n3A_341 : i32
      %dma_start3A_343 = arith.constant 0 : i32
      %dma_start3A_344 = arith.constant 0 : i32
      %dma_start3A_345 = tpu.memref_slice %arg4[%add3A_342, %dma_start3A_343, %dma_start3A_344] : memref<1024x200x128xf32, #tpu.memory_space<hbm>> -> memref<1x200x128xf32, #tpu.memory_space<hbm>>
      %dma_start3A_346 = tpu.memref_squeeze %dma_start3A_345 : memref<1x200x128xf32, #tpu.memory_space<hbm>> -> memref<200x128xf32, #tpu.memory_space<hbm>>
      %dma_start3A_347 = arith.constant 0 : i32
      %dma_start3A_348 = arith.constant 0 : i32
      %dma_start3A_349 = tpu.memref_slice %dma_start3A_346[%dma_start3A_347, %dma_start3A_348] : memref<200x128xf32, #tpu.memory_space<hbm>> -> memref<128x128xf32, #tpu.memory_space<hbm>>
      %dma_start3A_350 = arith.constant 0 : i32
      %dma_start3A_351 = arith.constant 0 : i32
      %dma_start3A_352 = tpu.memref_slice %arg4[%add3A_342, %dma_start3A_350, %dma_start3A_351] : memref<1024x200x128xf32, #tpu.memory_space<hbm>> -> memref<1x200x128xf32, #tpu.memory_space<hbm>>
      %dma_start3A_353 = tpu.memref_squeeze %dma_start3A_352 : memref<1x200x128xf32, #tpu.memory_space<hbm>> -> memref<200x128xf32, #tpu.memory_space<hbm>>
      %dma_start3A_354 = arith.constant 0 : i32
      %dma_start3A_355 = arith.constant 0 : i32
      %dma_start3A_356 = tpu.memref_slice %dma_start3A_353[%dma_start3A_354, %dma_start3A_355] : memref<200x128xf32, #tpu.memory_space<hbm>> -> memref<128x128xf32, #tpu.memory_space<hbm>>
      tpu.enqueue_dma source(%arg11 : memref<128x128xf32, #tpu.memory_space<vmem>>) target(%dma_start3A_356 : memref<128x128xf32, #tpu.memory_space<hbm>>) target_semaphore(%arg27 : memref<!tpu.dma_semaphore, #tpu.memory_space<semaphore_mem>>)
      %mul3A_357 = arith.constant 8 : i32
      %mul3A_358 = arith.muli %scan3A_65, %mul3A_357 : i32
      %add3A_359 = arith.constant 5 : i32
      %add3A_360 = arith.addi %mul3A_358, %add3A_359 : i32
      %dma_wait3A_361 = arith.constant 0 : i32
      %dma_wait3A_362 = arith.constant 0 : i32
      %dma_wait3A_363 = arith.constant 0 : i32
      %dma_wait3A_364 = tpu.memref_slice %arg4[%dma_wait3A_361, %dma_wait3A_362, %dma_wait3A_363] : memref<1024x200x128xf32, #tpu.memory_space<hbm>> -> memref<1x200x128xf32, #tpu.memory_space<hbm>>
      %dma_wait3A_365 = tpu.memref_squeeze %dma_wait3A_364 : memref<1x200x128xf32, #tpu.memory_space<hbm>> -> memref<200x128xf32, #tpu.memory_space<hbm>>
      %dma_wait3A_366 = arith.constant 0 : i32
      %dma_wait3A_367 = arith.constant 0 : i32
      %dma_wait3A_368 = tpu.memref_slice %dma_wait3A_365[%dma_wait3A_366, %dma_wait3A_367] : memref<200x128xf32, #tpu.memory_space<hbm>> -> memref<72x128xf32, #tpu.memory_space<hbm>>
      %dma_wait3A_369 = arith.constant 0 : i32
      %dma_wait3A_370 = arith.constant 0 : i32
      %dma_wait3A_371 = tpu.memref_slice %arg4[%dma_wait3A_361, %dma_wait3A_369, %dma_wait3A_370] : memref<1024x200x128xf32, #tpu.memory_space<hbm>> -> memref<1x200x128xf32, #tpu.memory_space<hbm>>
      %dma_wait3A_372 = tpu.memref_squeeze %dma_wait3A_371 : memref<1x200x128xf32, #tpu.memory_space<hbm>> -> memref<200x128xf32, #tpu.memory_space<hbm>>
      %dma_wait3A_373 = arith.constant 0 : i32
      %dma_wait3A_374 = arith.constant 0 : i32
      %dma_wait3A_375 = tpu.memref_slice %dma_wait3A_372[%dma_wait3A_373, %dma_wait3A_374] : memref<200x128xf32, #tpu.memory_space<hbm>> -> memref<72x128xf32, #tpu.memory_space<hbm>>
      tpu.wait_dma2 semaphore(%arg20 : memref<!tpu.dma_semaphore, #tpu.memory_space<semaphore_mem>>) src(%dma_wait3A_375 : memref<72x128xf32, #tpu.memory_space<hbm>>) dst(%arg12 : memref<72x128xf32, #tpu.memory_space<vmem>>)
      %mul3A_376 = arith.constant 32 : i32
      %mul3A_377 = arith.muli %add3A, %mul3A_376 : i32
      %jit3A_378 = arith.constant 2 : i32
      %div3A_379 = arith.divsi %add3A_360, %jit3A_378 : i32
      %sign3A_380 = arith.constant 0 : i32
      %sign3A_381 = arith.cmpi sgt, %add3A_360, %sign3A_380 : i32
      %sign3A_382 = arith.extui %sign3A_381 : i1 to i32
      %sign3A_383 = arith.constant 0 : i32
      %sign3A_384 = arith.cmpi slt, %add3A_360, %sign3A_383 : i32
      %sign3A_385 = arith.extui %sign3A_384 : i1 to i32
      %sign3A_386 = arith.subi %sign3A_382, %sign3A_385 : i32
      %sign3A_387 = arith.constant 0 : i32
      %sign3A_388 = arith.cmpi sgt, %jit3A_378, %sign3A_387 : i32
      %sign3A_389 = arith.extui %sign3A_388 : i1 to i32
      %sign3A_390 = arith.constant 0 : i32
      %sign3A_391 = arith.cmpi slt, %jit3A_378, %sign3A_390 : i32
      %sign3A_392 = arith.extui %sign3A_391 : i1 to i32
      %sign3A_393 = arith.subi %sign3A_389, %sign3A_392 : i32
      %ne3A_394 = arith.cmpi ne, %sign3A_386, %sign3A_393 : i32
      %rem3A_395 = arith.remsi %add3A_360, %jit3A_378 : i32
      %ne3A_396 = arith.constant 0 : i32
      %ne3A_397 = arith.cmpi ne, %rem3A_395, %ne3A_396 : i32
      %and3A_398 = arith.andi %ne3A_394, %ne3A_397 : i1
      %sub3A_399 = arith.constant 1 : i32
      %sub3A_400 = arith.subi %div3A_379, %sub3A_399 : i32
      %select_n3A_401 = arith.select %and3A_398, %sub3A_400, %div3A_379 : i32
      %add3A_402 = arith.addi %mul3A_377, %select_n3A_401 : i32
      %dma_start3A_403 = arith.constant 0 : i32
      %dma_start3A_404 = arith.constant 0 : i32
      %dma_start3A_405 = tpu.memref_slice %arg4[%add3A_402, %dma_start3A_403, %dma_start3A_404] : memref<1024x200x128xf32, #tpu.memory_space<hbm>> -> memref<1x200x128xf32, #tpu.memory_space<hbm>>
      %dma_start3A_406 = tpu.memref_squeeze %dma_start3A_405 : memref<1x200x128xf32, #tpu.memory_space<hbm>> -> memref<200x128xf32, #tpu.memory_space<hbm>>
      %dma_start3A_407 = arith.constant 128 : i32
      %dma_start3A_408 = arith.constant 0 : i32
      %dma_start3A_409 = tpu.memref_slice %dma_start3A_406[%dma_start3A_407, %dma_start3A_408] : memref<200x128xf32, #tpu.memory_space<hbm>> -> memref<72x128xf32, #tpu.memory_space<hbm>>
      %dma_start3A_410 = arith.constant 0 : i32
      %dma_start3A_411 = arith.constant 0 : i32
      %dma_start3A_412 = tpu.memref_slice %arg4[%add3A_402, %dma_start3A_410, %dma_start3A_411] : memref<1024x200x128xf32, #tpu.memory_space<hbm>> -> memref<1x200x128xf32, #tpu.memory_space<hbm>>
      %dma_start3A_413 = tpu.memref_squeeze %dma_start3A_412 : memref<1x200x128xf32, #tpu.memory_space<hbm>> -> memref<200x128xf32, #tpu.memory_space<hbm>>
      %dma_start3A_414 = arith.constant 128 : i32
      %dma_start3A_415 = arith.constant 0 : i32
      %dma_start3A_416 = tpu.memref_slice %dma_start3A_413[%dma_start3A_414, %dma_start3A_415] : memref<200x128xf32, #tpu.memory_space<hbm>> -> memref<72x128xf32, #tpu.memory_space<hbm>>
      tpu.enqueue_dma source(%arg12 : memref<72x128xf32, #tpu.memory_space<vmem>>) target(%dma_start3A_416 : memref<72x128xf32, #tpu.memory_space<hbm>>) target_semaphore(%arg28 : memref<!tpu.dma_semaphore, #tpu.memory_space<semaphore_mem>>)
      %mul3A_417 = arith.constant 8 : i32
      %mul3A_418 = arith.muli %scan3A_65, %mul3A_417 : i32
      %add3A_419 = arith.constant 6 : i32
      %add3A_420 = arith.addi %mul3A_418, %add3A_419 : i32
      %dma_wait3A_421 = arith.constant 0 : i32
      %dma_wait3A_422 = arith.constant 0 : i32
      %dma_wait3A_423 = arith.constant 0 : i32
      %dma_wait3A_424 = tpu.memref_slice %arg4[%dma_wait3A_421, %dma_wait3A_422, %dma_wait3A_423] : memref<1024x200x128xf32, #tpu.memory_space<hbm>> -> memref<1x200x128xf32, #tpu.memory_space<hbm>>
      %dma_wait3A_425 = tpu.memref_squeeze %dma_wait3A_424 : memref<1x200x128xf32, #tpu.memory_space<hbm>> -> memref<200x128xf32, #tpu.memory_space<hbm>>
      %dma_wait3A_426 = arith.constant 0 : i32
      %dma_wait3A_427 = arith.constant 0 : i32
      %dma_wait3A_428 = tpu.memref_slice %dma_wait3A_425[%dma_wait3A_426, %dma_wait3A_427] : memref<200x128xf32, #tpu.memory_space<hbm>> -> memref<128x128xf32, #tpu.memory_space<hbm>>
      %dma_wait3A_429 = arith.constant 0 : i32
      %dma_wait3A_430 = arith.constant 0 : i32
      %dma_wait3A_431 = tpu.memref_slice %arg4[%dma_wait3A_421, %dma_wait3A_429, %dma_wait3A_430] : memref<1024x200x128xf32, #tpu.memory_space<hbm>> -> memref<1x200x128xf32, #tpu.memory_space<hbm>>
      %dma_wait3A_432 = tpu.memref_squeeze %dma_wait3A_431 : memref<1x200x128xf32, #tpu.memory_space<hbm>> -> memref<200x128xf32, #tpu.memory_space<hbm>>
      %dma_wait3A_433 = arith.constant 0 : i32
      %dma_wait3A_434 = arith.constant 0 : i32
      %dma_wait3A_435 = tpu.memref_slice %dma_wait3A_432[%dma_wait3A_433, %dma_wait3A_434] : memref<200x128xf32, #tpu.memory_space<hbm>> -> memref<128x128xf32, #tpu.memory_space<hbm>>
      tpu.wait_dma2 semaphore(%arg21 : memref<!tpu.dma_semaphore, #tpu.memory_space<semaphore_mem>>) src(%dma_wait3A_435 : memref<128x128xf32, #tpu.memory_space<hbm>>) dst(%arg13 : memref<128x128xf32, #tpu.memory_space<vmem>>)
      %mul3A_436 = arith.constant 32 : i32
      %mul3A_437 = arith.muli %add3A, %mul3A_436 : i32
      %jit3A_438 = arith.constant 2 : i32
      %div3A_439 = arith.divsi %add3A_420, %jit3A_438 : i32
      %sign3A_440 = arith.constant 0 : i32
      %sign3A_441 = arith.cmpi sgt, %add3A_420, %sign3A_440 : i32
      %sign3A_442 = arith.extui %sign3A_441 : i1 to i32
      %sign3A_443 = arith.constant 0 : i32
      %sign3A_444 = arith.cmpi slt, %add3A_420, %sign3A_443 : i32
      %sign3A_445 = arith.extui %sign3A_444 : i1 to i32
      %sign3A_446 = arith.subi %sign3A_442, %sign3A_445 : i32
      %sign3A_447 = arith.constant 0 : i32
      %sign3A_448 = arith.cmpi sgt, %jit3A_438, %sign3A_447 : i32
      %sign3A_449 = arith.extui %sign3A_448 : i1 to i32
      %sign3A_450 = arith.constant 0 : i32
      %sign3A_451 = arith.cmpi slt, %jit3A_438, %sign3A_450 : i32
      %sign3A_452 = arith.extui %sign3A_451 : i1 to i32
      %sign3A_453 = arith.subi %sign3A_449, %sign3A_452 : i32
      %ne3A_454 = arith.cmpi ne, %sign3A_446, %sign3A_453 : i32
      %rem3A_455 = arith.remsi %add3A_420, %jit3A_438 : i32
      %ne3A_456 = arith.constant 0 : i32
      %ne3A_457 = arith.cmpi ne, %rem3A_455, %ne3A_456 : i32
      %and3A_458 = arith.andi %ne3A_454, %ne3A_457 : i1
      %sub3A_459 = arith.constant 1 : i32
      %sub3A_460 = arith.subi %div3A_439, %sub3A_459 : i32
      %select_n3A_461 = arith.select %and3A_458, %sub3A_460, %div3A_439 : i32
      %add3A_462 = arith.addi %mul3A_437, %select_n3A_461 : i32
      %dma_start3A_463 = arith.constant 0 : i32
      %dma_start3A_464 = arith.constant 0 : i32
      %dma_start3A_465 = tpu.memref_slice %arg4[%add3A_462, %dma_start3A_463, %dma_start3A_464] : memref<1024x200x128xf32, #tpu.memory_space<hbm>> -> memref<1x200x128xf32, #tpu.memory_space<hbm>>
      %dma_start3A_466 = tpu.memref_squeeze %dma_start3A_465 : memref<1x200x128xf32, #tpu.memory_space<hbm>> -> memref<200x128xf32, #tpu.memory_space<hbm>>
      %dma_start3A_467 = arith.constant 0 : i32
      %dma_start3A_468 = arith.constant 0 : i32
      %dma_start3A_469 = tpu.memref_slice %dma_start3A_466[%dma_start3A_467, %dma_start3A_468] : memref<200x128xf32, #tpu.memory_space<hbm>> -> memref<128x128xf32, #tpu.memory_space<hbm>>
      %dma_start3A_470 = arith.constant 0 : i32
      %dma_start3A_471 = arith.constant 0 : i32
      %dma_start3A_472 = tpu.memref_slice %arg4[%add3A_462, %dma_start3A_470, %dma_start3A_471] : memref<1024x200x128xf32, #tpu.memory_space<hbm>> -> memref<1x200x128xf32, #tpu.memory_space<hbm>>
      %dma_start3A_473 = tpu.memref_squeeze %dma_start3A_472 : memref<1x200x128xf32, #tpu.memory_space<hbm>> -> memref<200x128xf32, #tpu.memory_space<hbm>>
      %dma_start3A_474 = arith.constant 0 : i32
      %dma_start3A_475 = arith.constant 0 : i32
      %dma_start3A_476 = tpu.memref_slice %dma_start3A_473[%dma_start3A_474, %dma_start3A_475] : memref<200x128xf32, #tpu.memory_space<hbm>> -> memref<128x128xf32, #tpu.memory_space<hbm>>
      tpu.enqueue_dma source(%arg13 : memref<128x128xf32, #tpu.memory_space<vmem>>) target(%dma_start3A_476 : memref<128x128xf32, #tpu.memory_space<hbm>>) target_semaphore(%arg29 : memref<!tpu.dma_semaphore, #tpu.memory_space<semaphore_mem>>)
      %mul3A_477 = arith.constant 8 : i32
      %mul3A_478 = arith.muli %scan3A_65, %mul3A_477 : i32
      %add3A_479 = arith.constant 7 : i32
      %add3A_480 = arith.addi %mul3A_478, %add3A_479 : i32
      %dma_wait3A_481 = arith.constant 0 : i32
      %dma_wait3A_482 = arith.constant 0 : i32
      %dma_wait3A_483 = arith.constant 0 : i32
      %dma_wait3A_484 = tpu.memref_slice %arg4[%dma_wait3A_481, %dma_wait3A_482, %dma_wait3A_483] : memref<1024x200x128xf32, #tpu.memory_space<hbm>> -> memref<1x200x128xf32, #tpu.memory_space<hbm>>
      %dma_wait3A_485 = tpu.memref_squeeze %dma_wait3A_484 : memref<1x200x128xf32, #tpu.memory_space<hbm>> -> memref<200x128xf32, #tpu.memory_space<hbm>>
      %dma_wait3A_486 = arith.constant 0 : i32
      %dma_wait3A_487 = arith.constant 0 : i32
      %dma_wait3A_488 = tpu.memref_slice %dma_wait3A_485[%dma_wait3A_486, %dma_wait3A_487] : memref<200x128xf32, #tpu.memory_space<hbm>> -> memref<72x128xf32, #tpu.memory_space<hbm>>
      %dma_wait3A_489 = arith.constant 0 : i32
      %dma_wait3A_490 = arith.constant 0 : i32
      %dma_wait3A_491 = tpu.memref_slice %arg4[%dma_wait3A_481, %dma_wait3A_489, %dma_wait3A_490] : memref<1024x200x128xf32, #tpu.memory_space<hbm>> -> memref<1x200x128xf32, #tpu.memory_space<hbm>>
      %dma_wait3A_492 = tpu.memref_squeeze %dma_wait3A_491 : memref<1x200x128xf32, #tpu.memory_space<hbm>> -> memref<200x128xf32, #tpu.memory_space<hbm>>
      %dma_wait3A_493 = arith.constant 0 : i32
      %dma_wait3A_494 = arith.constant 0 : i32
      %dma_wait3A_495 = tpu.memref_slice %dma_wait3A_492[%dma_wait3A_493, %dma_wait3A_494] : memref<200x128xf32, #tpu.memory_space<hbm>> -> memref<72x128xf32, #tpu.memory_space<hbm>>
      tpu.wait_dma2 semaphore(%arg22 : memref<!tpu.dma_semaphore, #tpu.memory_space<semaphore_mem>>) src(%dma_wait3A_495 : memref<72x128xf32, #tpu.memory_space<hbm>>) dst(%arg14 : memref<72x128xf32, #tpu.memory_space<vmem>>)
      %mul3A_496 = arith.constant 32 : i32
      %mul3A_497 = arith.muli %add3A, %mul3A_496 : i32
      %jit3A_498 = arith.constant 2 : i32
      %div3A_499 = arith.divsi %add3A_480, %jit3A_498 : i32
      %sign3A_500 = arith.constant 0 : i32
      %sign3A_501 = arith.cmpi sgt, %add3A_480, %sign3A_500 : i32
      %sign3A_502 = arith.extui %sign3A_501 : i1 to i32
      %sign3A_503 = arith.constant 0 : i32
      %sign3A_504 = arith.cmpi slt, %add3A_480, %sign3A_503 : i32
      %sign3A_505 = arith.extui %sign3A_504 : i1 to i32
      %sign3A_506 = arith.subi %sign3A_502, %sign3A_505 : i32
      %sign3A_507 = arith.constant 0 : i32
      %sign3A_508 = arith.cmpi sgt, %jit3A_498, %sign3A_507 : i32
      %sign3A_509 = arith.extui %sign3A_508 : i1 to i32
      %sign3A_510 = arith.constant 0 : i32
      %sign3A_511 = arith.cmpi slt, %jit3A_498, %sign3A_510 : i32
      %sign3A_512 = arith.extui %sign3A_511 : i1 to i32
      %sign3A_513 = arith.subi %sign3A_509, %sign3A_512 : i32
      %ne3A_514 = arith.cmpi ne, %sign3A_506, %sign3A_513 : i32
      %rem3A_515 = arith.remsi %add3A_480, %jit3A_498 : i32
      %ne3A_516 = arith.constant 0 : i32
      %ne3A_517 = arith.cmpi ne, %rem3A_515, %ne3A_516 : i32
      %and3A_518 = arith.andi %ne3A_514, %ne3A_517 : i1
      %sub3A_519 = arith.constant 1 : i32
      %sub3A_520 = arith.subi %div3A_499, %sub3A_519 : i32
      %select_n3A_521 = arith.select %and3A_518, %sub3A_520, %div3A_499 : i32
      %add3A_522 = arith.addi %mul3A_497, %select_n3A_521 : i32
      %dma_start3A_523 = arith.constant 0 : i32
      %dma_start3A_524 = arith.constant 0 : i32
      %dma_start3A_525 = tpu.memref_slice %arg4[%add3A_522, %dma_start3A_523, %dma_start3A_524] : memref<1024x200x128xf32, #tpu.memory_space<hbm>> -> memref<1x200x128xf32, #tpu.memory_space<hbm>>
      %dma_start3A_526 = tpu.memref_squeeze %dma_start3A_525 : memref<1x200x128xf32, #tpu.memory_space<hbm>> -> memref<200x128xf32, #tpu.memory_space<hbm>>
      %dma_start3A_527 = arith.constant 128 : i32
      %dma_start3A_528 = arith.constant 0 : i32
      %dma_start3A_529 = tpu.memref_slice %dma_start3A_526[%dma_start3A_527, %dma_start3A_528] : memref<200x128xf32, #tpu.memory_space<hbm>> -> memref<72x128xf32, #tpu.memory_space<hbm>>
      %dma_start3A_530 = arith.constant 0 : i32
      %dma_start3A_531 = arith.constant 0 : i32
      %dma_start3A_532 = tpu.memref_slice %arg4[%add3A_522, %dma_start3A_530, %dma_start3A_531] : memref<1024x200x128xf32, #tpu.memory_space<hbm>> -> memref<1x200x128xf32, #tpu.memory_space<hbm>>
      %dma_start3A_533 = tpu.memref_squeeze %dma_start3A_532 : memref<1x200x128xf32, #tpu.memory_space<hbm>> -> memref<200x128xf32, #tpu.memory_space<hbm>>
      %dma_start3A_534 = arith.constant 128 : i32
      %dma_start3A_535 = arith.constant 0 : i32
      %dma_start3A_536 = tpu.memref_slice %dma_start3A_533[%dma_start3A_534, %dma_start3A_535] : memref<200x128xf32, #tpu.memory_space<hbm>> -> memref<72x128xf32, #tpu.memory_space<hbm>>
      tpu.enqueue_dma source(%arg14 : memref<72x128xf32, #tpu.memory_space<vmem>>) target(%dma_start3A_536 : memref<72x128xf32, #tpu.memory_space<hbm>>) target_semaphore(%arg30 : memref<!tpu.dma_semaphore, #tpu.memory_space<semaphore_mem>>)
      %dma_wait3A_537 = arith.constant 0 : i32
      %dma_wait3A_538 = arith.constant 0 : i32
      %dma_wait3A_539 = arith.constant 0 : i32
      %dma_wait3A_540 = tpu.memref_slice %arg4[%dma_wait3A_537, %dma_wait3A_538, %dma_wait3A_539] : memref<1024x200x128xf32, #tpu.memory_space<hbm>> -> memref<1x200x128xf32, #tpu.memory_space<hbm>>
      %dma_wait3A_541 = tpu.memref_squeeze %dma_wait3A_540 : memref<1x200x128xf32, #tpu.memory_space<hbm>> -> memref<200x128xf32, #tpu.memory_space<hbm>>
      %dma_wait3A_542 = arith.constant 0 : i32
      %dma_wait3A_543 = arith.constant 0 : i32
      %dma_wait3A_544 = tpu.memref_slice %dma_wait3A_541[%dma_wait3A_542, %dma_wait3A_543] : memref<200x128xf32, #tpu.memory_space<hbm>> -> memref<128x128xf32, #tpu.memory_space<hbm>>
      %dma_wait3A_545 = arith.constant 0 : i32
      %dma_wait3A_546 = arith.constant 0 : i32
      %dma_wait3A_547 = tpu.memref_slice %arg4[%dma_wait3A_537, %dma_wait3A_545, %dma_wait3A_546] : memref<1024x200x128xf32, #tpu.memory_space<hbm>> -> memref<1x200x128xf32, #tpu.memory_space<hbm>>
      %dma_wait3A_548 = tpu.memref_squeeze %dma_wait3A_547 : memref<1x200x128xf32, #tpu.memory_space<hbm>> -> memref<200x128xf32, #tpu.memory_space<hbm>>
      %dma_wait3A_549 = arith.constant 0 : i32
      %dma_wait3A_550 = arith.constant 0 : i32
      %dma_wait3A_551 = tpu.memref_slice %dma_wait3A_548[%dma_wait3A_549, %dma_wait3A_550] : memref<200x128xf32, #tpu.memory_space<hbm>> -> memref<128x128xf32, #tpu.memory_space<hbm>>
      tpu.wait_dma2 semaphore(%arg23 : memref<!tpu.dma_semaphore, #tpu.memory_space<semaphore_mem>>) src(%arg7 : memref<128x128xf32, #tpu.memory_space<vmem>>) dst(%dma_wait3A_551 : memref<128x128xf32, #tpu.memory_space<hbm>>)
      %lt3A = arith.constant 7 : i32
      %lt3A_552 = arith.cmpi slt, %scan3A_65, %lt3A : i32
      %convert_element_type3A_553 = arith.extui %lt3A_552 : i1 to i32
      %cond3A_554 = arith.constant 0 : i32
      %cond3A_555 = arith.cmpi ne, %convert_element_type3A_553, %cond3A_554 : i32
      scf.if %cond3A_555 {
        %add3A_696 = arith.constant 1 : i32
        %add3A_697 = arith.addi %scan3A_65, %add3A_696 : i32
        %mul3A_698 = arith.constant 8 : i32
        %mul3A_699 = arith.muli %add3A_697, %mul3A_698 : i32
        %add3A_700 = arith.constant 0 : i32
        %add3A_701 = arith.addi %mul3A_699, %add3A_700 : i32
        %jit3A_702 = arith.constant 2 : i32
        %div3A_703 = arith.divsi %add3A_701, %jit3A_702 : i32
        %sign3A_704 = arith.constant 0 : i32
        %sign3A_705 = arith.cmpi sgt, %add3A_701, %sign3A_704 : i32
        %sign3A_706 = arith.extui %sign3A_705 : i1 to i32
        %sign3A_707 = arith.constant 0 : i32
        %sign3A_708 = arith.cmpi slt, %add3A_701, %sign3A_707 : i32
        %sign3A_709 = arith.extui %sign3A_708 : i1 to i32
        %sign3A_710 = arith.subi %sign3A_706, %sign3A_709 : i32
        %sign3A_711 = arith.constant 0 : i32
        %sign3A_712 = arith.cmpi sgt, %jit3A_702, %sign3A_711 : i32
        %sign3A_713 = arith.extui %sign3A_712 : i1 to i32
        %sign3A_714 = arith.constant 0 : i32
        %sign3A_715 = arith.cmpi slt, %jit3A_702, %sign3A_714 : i32
        %sign3A_716 = arith.extui %sign3A_715 : i1 to i32
        %sign3A_717 = arith.subi %sign3A_713, %sign3A_716 : i32
        %ne3A_718 = arith.cmpi ne, %sign3A_710, %sign3A_717 : i32
        %rem3A_719 = arith.remsi %add3A_701, %jit3A_702 : i32
        %ne3A_720 = arith.constant 0 : i32
        %ne3A_721 = arith.cmpi ne, %rem3A_719, %ne3A_720 : i32
        %and3A_722 = arith.andi %ne3A_718, %ne3A_721 : i1
        %sub3A_723 = arith.constant 1 : i32
        %sub3A_724 = arith.subi %div3A_703, %sub3A_723 : i32
        %select_n3A_725 = arith.select %and3A_722, %sub3A_724, %div3A_703 : i32
        %dma_start3A_726 = arith.constant 0 : i32
        %dma_start3A_727 = tpu.memref_slice %arg6[%select_n3A_725, %dma_start3A_726] : memref<32x200xi32, #tpu.memory_space<vmem>> -> memref<1x128xi32, #tpu.memory_space<vmem>>
        %dma_start3A_728 = tpu.memref_squeeze %dma_start3A_727 : memref<1x128xi32, #tpu.memory_space<vmem>> -> memref<128xi32, #tpu.memory_space<vmem>>
        %dma_start3A_729 = arith.constant 0 : i32
        %dma_start3A_730 = arith.constant 0 : i32
        %dma_start3A_731 = tpu.memref_slice %arg5[%dma_start3A_729, %dma_start3A_730] : memref<367x128xf32, #tpu.memory_space<vmem_shared>> -> memref<367x128xf32, #tpu.memory_space<vmem_shared>>
        tpu.enqueue_indirect_dma source(%dma_start3A_731 : memref<367x128xf32, #tpu.memory_space<vmem_shared>>) target(%arg7 : memref<128x128xf32, #tpu.memory_space<vmem>>) offsets(%dma_start3A_728 : memref<128xi32, #tpu.memory_space<vmem>>) semaphore(%arg15 : memref<!tpu.dma_semaphore, #tpu.memory_space<semaphore_mem>>)
      } else {
      }
      %dma_wait3A_556 = arith.constant 0 : i32
      %dma_wait3A_557 = arith.constant 0 : i32
      %dma_wait3A_558 = arith.constant 0 : i32
      %dma_wait3A_559 = tpu.memref_slice %arg4[%dma_wait3A_556, %dma_wait3A_557, %dma_wait3A_558] : memref<1024x200x128xf32, #tpu.memory_space<hbm>> -> memref<1x200x128xf32, #tpu.memory_space<hbm>>
      %dma_wait3A_560 = tpu.memref_squeeze %dma_wait3A_559 : memref<1x200x128xf32, #tpu.memory_space<hbm>> -> memref<200x128xf32, #tpu.memory_space<hbm>>
      %dma_wait3A_561 = arith.constant 0 : i32
      %dma_wait3A_562 = arith.constant 0 : i32
      %dma_wait3A_563 = tpu.memref_slice %dma_wait3A_560[%dma_wait3A_561, %dma_wait3A_562] : memref<200x128xf32, #tpu.memory_space<hbm>> -> memref<72x128xf32, #tpu.memory_space<hbm>>
      %dma_wait3A_564 = arith.constant 0 : i32
      %dma_wait3A_565 = arith.constant 0 : i32
      %dma_wait3A_566 = tpu.memref_slice %arg4[%dma_wait3A_556, %dma_wait3A_564, %dma_wait3A_565] : memref<1024x200x128xf32, #tpu.memory_space<hbm>> -> memref<1x200x128xf32, #tpu.memory_space<hbm>>
      %dma_wait3A_567 = tpu.memref_squeeze %dma_wait3A_566 : memref<1x200x128xf32, #tpu.memory_space<hbm>> -> memref<200x128xf32, #tpu.memory_space<hbm>>
      %dma_wait3A_568 = arith.constant 0 : i32
      %dma_wait3A_569 = arith.constant 0 : i32
      %dma_wait3A_570 = tpu.memref_slice %dma_wait3A_567[%dma_wait3A_568, %dma_wait3A_569] : memref<200x128xf32, #tpu.memory_space<hbm>> -> memref<72x128xf32, #tpu.memory_space<hbm>>
      tpu.wait_dma2 semaphore(%arg24 : memref<!tpu.dma_semaphore, #tpu.memory_space<semaphore_mem>>) src(%arg8 : memref<72x128xf32, #tpu.memory_space<vmem>>) dst(%dma_wait3A_570 : memref<72x128xf32, #tpu.memory_space<hbm>>)
      %lt3A_571 = arith.constant 7 : i32
      %lt3A_572 = arith.cmpi slt, %scan3A_65, %lt3A_571 : i32
      %convert_element_type3A_573 = arith.extui %lt3A_572 : i1 to i32
      %cond3A_574 = arith.constant 0 : i32
      %cond3A_575 = arith.cmpi ne, %convert_element_type3A_573, %cond3A_574 : i32
      scf.if %cond3A_575 {
        %add3A_696 = arith.constant 1 : i32
        %add3A_697 = arith.addi %scan3A_65, %add3A_696 : i32
        %mul3A_698 = arith.constant 8 : i32
        %mul3A_699 = arith.muli %add3A_697, %mul3A_698 : i32
        %add3A_700 = arith.constant 1 : i32
        %add3A_701 = arith.addi %mul3A_699, %add3A_700 : i32
        %jit3A_702 = arith.constant 2 : i32
        %div3A_703 = arith.divsi %add3A_701, %jit3A_702 : i32
        %sign3A_704 = arith.constant 0 : i32
        %sign3A_705 = arith.cmpi sgt, %add3A_701, %sign3A_704 : i32
        %sign3A_706 = arith.extui %sign3A_705 : i1 to i32
        %sign3A_707 = arith.constant 0 : i32
        %sign3A_708 = arith.cmpi slt, %add3A_701, %sign3A_707 : i32
        %sign3A_709 = arith.extui %sign3A_708 : i1 to i32
        %sign3A_710 = arith.subi %sign3A_706, %sign3A_709 : i32
        %sign3A_711 = arith.constant 0 : i32
        %sign3A_712 = arith.cmpi sgt, %jit3A_702, %sign3A_711 : i32
        %sign3A_713 = arith.extui %sign3A_712 : i1 to i32
        %sign3A_714 = arith.constant 0 : i32
        %sign3A_715 = arith.cmpi slt, %jit3A_702, %sign3A_714 : i32
        %sign3A_716 = arith.extui %sign3A_715 : i1 to i32
        %sign3A_717 = arith.subi %sign3A_713, %sign3A_716 : i32
        %ne3A_718 = arith.cmpi ne, %sign3A_710, %sign3A_717 : i32
        %rem3A_719 = arith.remsi %add3A_701, %jit3A_702 : i32
        %ne3A_720 = arith.constant 0 : i32
        %ne3A_721 = arith.cmpi ne, %rem3A_719, %ne3A_720 : i32
        %and3A_722 = arith.andi %ne3A_718, %ne3A_721 : i1
        %sub3A_723 = arith.constant 1 : i32
        %sub3A_724 = arith.subi %div3A_703, %sub3A_723 : i32
        %select_n3A_725 = arith.select %and3A_722, %sub3A_724, %div3A_703 : i32
        %dma_start3A_726 = arith.constant 128 : i32
        %dma_start3A_727 = tpu.memref_slice %arg6[%select_n3A_725, %dma_start3A_726] : memref<32x200xi32, #tpu.memory_space<vmem>> -> memref<1x72xi32, #tpu.memory_space<vmem>>
        %dma_start3A_728 = tpu.memref_squeeze %dma_start3A_727 : memref<1x72xi32, #tpu.memory_space<vmem>> -> memref<72xi32, #tpu.memory_space<vmem>>
        %dma_start3A_729 = arith.constant 0 : i32
        %dma_start3A_730 = arith.constant 0 : i32
        %dma_start3A_731 = tpu.memref_slice %arg5[%dma_start3A_729, %dma_start3A_730] : memref<367x128xf32, #tpu.memory_space<vmem_shared>> -> memref<367x128xf32, #tpu.memory_space<vmem_shared>>
        tpu.enqueue_indirect_dma source(%dma_start3A_731 : memref<367x128xf32, #tpu.memory_space<vmem_shared>>) target(%arg8 : memref<72x128xf32, #tpu.memory_space<vmem>>) offsets(%dma_start3A_728 : memref<72xi32, #tpu.memory_space<vmem>>) semaphore(%arg16 : memref<!tpu.dma_semaphore, #tpu.memory_space<semaphore_mem>>)
      } else {
      }
      %dma_wait3A_576 = arith.constant 0 : i32
      %dma_wait3A_577 = arith.constant 0 : i32
      %dma_wait3A_578 = arith.constant 0 : i32
      %dma_wait3A_579 = tpu.memref_slice %arg4[%dma_wait3A_576, %dma_wait3A_577, %dma_wait3A_578] : memref<1024x200x128xf32, #tpu.memory_space<hbm>> -> memref<1x200x128xf32, #tpu.memory_space<hbm>>
      %dma_wait3A_580 = tpu.memref_squeeze %dma_wait3A_579 : memref<1x200x128xf32, #tpu.memory_space<hbm>> -> memref<200x128xf32, #tpu.memory_space<hbm>>
      %dma_wait3A_581 = arith.constant 0 : i32
      %dma_wait3A_582 = arith.constant 0 : i32
      %dma_wait3A_583 = tpu.memref_slice %dma_wait3A_580[%dma_wait3A_581, %dma_wait3A_582] : memref<200x128xf32, #tpu.memory_space<hbm>> -> memref<128x128xf32, #tpu.memory_space<hbm>>
      %dma_wait3A_584 = arith.constant 0 : i32
      %dma_wait3A_585 = arith.constant 0 : i32
      %dma_wait3A_586 = tpu.memref_slice %arg4[%dma_wait3A_576, %dma_wait3A_584, %dma_wait3A_585] : memref<1024x200x128xf32, #tpu.memory_space<hbm>> -> memref<1x200x128xf32, #tpu.memory_space<hbm>>
      %dma_wait3A_587 = tpu.memref_squeeze %dma_wait3A_586 : memref<1x200x128xf32, #tpu.memory_space<hbm>> -> memref<200x128xf32, #tpu.memory_space<hbm>>
      %dma_wait3A_588 = arith.constant 0 : i32
      %dma_wait3A_589 = arith.constant 0 : i32
      %dma_wait3A_590 = tpu.memref_slice %dma_wait3A_587[%dma_wait3A_588, %dma_wait3A_589] : memref<200x128xf32, #tpu.memory_space<hbm>> -> memref<128x128xf32, #tpu.memory_space<hbm>>
      tpu.wait_dma2 semaphore(%arg25 : memref<!tpu.dma_semaphore, #tpu.memory_space<semaphore_mem>>) src(%arg9 : memref<128x128xf32, #tpu.memory_space<vmem>>) dst(%dma_wait3A_590 : memref<128x128xf32, #tpu.memory_space<hbm>>)
      %lt3A_591 = arith.constant 7 : i32
      %lt3A_592 = arith.cmpi slt, %scan3A_65, %lt3A_591 : i32
      %convert_element_type3A_593 = arith.extui %lt3A_592 : i1 to i32
      %cond3A_594 = arith.constant 0 : i32
      %cond3A_595 = arith.cmpi ne, %convert_element_type3A_593, %cond3A_594 : i32
      scf.if %cond3A_595 {
        %add3A_696 = arith.constant 1 : i32
        %add3A_697 = arith.addi %scan3A_65, %add3A_696 : i32
        %mul3A_698 = arith.constant 8 : i32
        %mul3A_699 = arith.muli %add3A_697, %mul3A_698 : i32
        %add3A_700 = arith.constant 2 : i32
        %add3A_701 = arith.addi %mul3A_699, %add3A_700 : i32
        %jit3A_702 = arith.constant 2 : i32
        %div3A_703 = arith.divsi %add3A_701, %jit3A_702 : i32
        %sign3A_704 = arith.constant 0 : i32
        %sign3A_705 = arith.cmpi sgt, %add3A_701, %sign3A_704 : i32
        %sign3A_706 = arith.extui %sign3A_705 : i1 to i32
        %sign3A_707 = arith.constant 0 : i32
        %sign3A_708 = arith.cmpi slt, %add3A_701, %sign3A_707 : i32
        %sign3A_709 = arith.extui %sign3A_708 : i1 to i32
        %sign3A_710 = arith.subi %sign3A_706, %sign3A_709 : i32
        %sign3A_711 = arith.constant 0 : i32
        %sign3A_712 = arith.cmpi sgt, %jit3A_702, %sign3A_711 : i32
        %sign3A_713 = arith.extui %sign3A_712 : i1 to i32
        %sign3A_714 = arith.constant 0 : i32
        %sign3A_715 = arith.cmpi slt, %jit3A_702, %sign3A_714 : i32
        %sign3A_716 = arith.extui %sign3A_715 : i1 to i32
        %sign3A_717 = arith.subi %sign3A_713, %sign3A_716 : i32
        %ne3A_718 = arith.cmpi ne, %sign3A_710, %sign3A_717 : i32
        %rem3A_719 = arith.remsi %add3A_701, %jit3A_702 : i32
        %ne3A_720 = arith.constant 0 : i32
        %ne3A_721 = arith.cmpi ne, %rem3A_719, %ne3A_720 : i32
        %and3A_722 = arith.andi %ne3A_718, %ne3A_721 : i1
        %sub3A_723 = arith.constant 1 : i32
        %sub3A_724 = arith.subi %div3A_703, %sub3A_723 : i32
        %select_n3A_725 = arith.select %and3A_722, %sub3A_724, %div3A_703 : i32
        %dma_start3A_726 = arith.constant 0 : i32
        %dma_start3A_727 = tpu.memref_slice %arg6[%select_n3A_725, %dma_start3A_726] : memref<32x200xi32, #tpu.memory_space<vmem>> -> memref<1x128xi32, #tpu.memory_space<vmem>>
        %dma_start3A_728 = tpu.memref_squeeze %dma_start3A_727 : memref<1x128xi32, #tpu.memory_space<vmem>> -> memref<128xi32, #tpu.memory_space<vmem>>
        %dma_start3A_729 = arith.constant 0 : i32
        %dma_start3A_730 = arith.constant 0 : i32
        %dma_start3A_731 = tpu.memref_slice %arg5[%dma_start3A_729, %dma_start3A_730] : memref<367x128xf32, #tpu.memory_space<vmem_shared>> -> memref<367x128xf32, #tpu.memory_space<vmem_shared>>
        tpu.enqueue_indirect_dma source(%dma_start3A_731 : memref<367x128xf32, #tpu.memory_space<vmem_shared>>) target(%arg9 : memref<128x128xf32, #tpu.memory_space<vmem>>) offsets(%dma_start3A_728 : memref<128xi32, #tpu.memory_space<vmem>>) semaphore(%arg17 : memref<!tpu.dma_semaphore, #tpu.memory_space<semaphore_mem>>)
      } else {
      }
      %dma_wait3A_596 = arith.constant 0 : i32
      %dma_wait3A_597 = arith.constant 0 : i32
      %dma_wait3A_598 = arith.constant 0 : i32
      %dma_wait3A_599 = tpu.memref_slice %arg4[%dma_wait3A_596, %dma_wait3A_597, %dma_wait3A_598] : memref<1024x200x128xf32, #tpu.memory_space<hbm>> -> memref<1x200x128xf32, #tpu.memory_space<hbm>>
      %dma_wait3A_600 = tpu.memref_squeeze %dma_wait3A_599 : memref<1x200x128xf32, #tpu.memory_space<hbm>> -> memref<200x128xf32, #tpu.memory_space<hbm>>
      %dma_wait3A_601 = arith.constant 0 : i32
      %dma_wait3A_602 = arith.constant 0 : i32
      %dma_wait3A_603 = tpu.memref_slice %dma_wait3A_600[%dma_wait3A_601, %dma_wait3A_602] : memref<200x128xf32, #tpu.memory_space<hbm>> -> memref<72x128xf32, #tpu.memory_space<hbm>>
      %dma_wait3A_604 = arith.constant 0 : i32
      %dma_wait3A_605 = arith.constant 0 : i32
      %dma_wait3A_606 = tpu.memref_slice %arg4[%dma_wait3A_596, %dma_wait3A_604, %dma_wait3A_605] : memref<1024x200x128xf32, #tpu.memory_space<hbm>> -> memref<1x200x128xf32, #tpu.memory_space<hbm>>
      %dma_wait3A_607 = tpu.memref_squeeze %dma_wait3A_606 : memref<1x200x128xf32, #tpu.memory_space<hbm>> -> memref<200x128xf32, #tpu.memory_space<hbm>>
      %dma_wait3A_608 = arith.constant 0 : i32
      %dma_wait3A_609 = arith.constant 0 : i32
      %dma_wait3A_610 = tpu.memref_slice %dma_wait3A_607[%dma_wait3A_608, %dma_wait3A_609] : memref<200x128xf32, #tpu.memory_space<hbm>> -> memref<72x128xf32, #tpu.memory_space<hbm>>
      tpu.wait_dma2 semaphore(%arg26 : memref<!tpu.dma_semaphore, #tpu.memory_space<semaphore_mem>>) src(%arg10 : memref<72x128xf32, #tpu.memory_space<vmem>>) dst(%dma_wait3A_610 : memref<72x128xf32, #tpu.memory_space<hbm>>)
      %lt3A_611 = arith.constant 7 : i32
      %lt3A_612 = arith.cmpi slt, %scan3A_65, %lt3A_611 : i32
      %convert_element_type3A_613 = arith.extui %lt3A_612 : i1 to i32
      %cond3A_614 = arith.constant 0 : i32
      %cond3A_615 = arith.cmpi ne, %convert_element_type3A_613, %cond3A_614 : i32
      scf.if %cond3A_615 {
        %add3A_696 = arith.constant 1 : i32
        %add3A_697 = arith.addi %scan3A_65, %add3A_696 : i32
        %mul3A_698 = arith.constant 8 : i32
        %mul3A_699 = arith.muli %add3A_697, %mul3A_698 : i32
        %add3A_700 = arith.constant 3 : i32
        %add3A_701 = arith.addi %mul3A_699, %add3A_700 : i32
        %jit3A_702 = arith.constant 2 : i32
        %div3A_703 = arith.divsi %add3A_701, %jit3A_702 : i32
        %sign3A_704 = arith.constant 0 : i32
        %sign3A_705 = arith.cmpi sgt, %add3A_701, %sign3A_704 : i32
        %sign3A_706 = arith.extui %sign3A_705 : i1 to i32
        %sign3A_707 = arith.constant 0 : i32
        %sign3A_708 = arith.cmpi slt, %add3A_701, %sign3A_707 : i32
        %sign3A_709 = arith.extui %sign3A_708 : i1 to i32
        %sign3A_710 = arith.subi %sign3A_706, %sign3A_709 : i32
        %sign3A_711 = arith.constant 0 : i32
        %sign3A_712 = arith.cmpi sgt, %jit3A_702, %sign3A_711 : i32
        %sign3A_713 = arith.extui %sign3A_712 : i1 to i32
        %sign3A_714 = arith.constant 0 : i32
        %sign3A_715 = arith.cmpi slt, %jit3A_702, %sign3A_714 : i32
        %sign3A_716 = arith.extui %sign3A_715 : i1 to i32
        %sign3A_717 = arith.subi %sign3A_713, %sign3A_716 : i32
        %ne3A_718 = arith.cmpi ne, %sign3A_710, %sign3A_717 : i32
        %rem3A_719 = arith.remsi %add3A_701, %jit3A_702 : i32
        %ne3A_720 = arith.constant 0 : i32
        %ne3A_721 = arith.cmpi ne, %rem3A_719, %ne3A_720 : i32
        %and3A_722 = arith.andi %ne3A_718, %ne3A_721 : i1
        %sub3A_723 = arith.constant 1 : i32
        %sub3A_724 = arith.subi %div3A_703, %sub3A_723 : i32
        %select_n3A_725 = arith.select %and3A_722, %sub3A_724, %div3A_703 : i32
        %dma_start3A_726 = arith.constant 128 : i32
        %dma_start3A_727 = tpu.memref_slice %arg6[%select_n3A_725, %dma_start3A_726] : memref<32x200xi32, #tpu.memory_space<vmem>> -> memref<1x72xi32, #tpu.memory_space<vmem>>
        %dma_start3A_728 = tpu.memref_squeeze %dma_start3A_727 : memref<1x72xi32, #tpu.memory_space<vmem>> -> memref<72xi32, #tpu.memory_space<vmem>>
        %dma_start3A_729 = arith.constant 0 : i32
        %dma_start3A_730 = arith.constant 0 : i32
        %dma_start3A_731 = tpu.memref_slice %arg5[%dma_start3A_729, %dma_start3A_730] : memref<367x128xf32, #tpu.memory_space<vmem_shared>> -> memref<367x128xf32, #tpu.memory_space<vmem_shared>>
        tpu.enqueue_indirect_dma source(%dma_start3A_731 : memref<367x128xf32, #tpu.memory_space<vmem_shared>>) target(%arg10 : memref<72x128xf32, #tpu.memory_space<vmem>>) offsets(%dma_start3A_728 : memref<72xi32, #tpu.memory_space<vmem>>) semaphore(%arg18 : memref<!tpu.dma_semaphore, #tpu.memory_space<semaphore_mem>>)
      } else {
      }
      %dma_wait3A_616 = arith.constant 0 : i32
      %dma_wait3A_617 = arith.constant 0 : i32
      %dma_wait3A_618 = arith.constant 0 : i32
      %dma_wait3A_619 = tpu.memref_slice %arg4[%dma_wait3A_616, %dma_wait3A_617, %dma_wait3A_618] : memref<1024x200x128xf32, #tpu.memory_space<hbm>> -> memref<1x200x128xf32, #tpu.memory_space<hbm>>
      %dma_wait3A_620 = tpu.memref_squeeze %dma_wait3A_619 : memref<1x200x128xf32, #tpu.memory_space<hbm>> -> memref<200x128xf32, #tpu.memory_space<hbm>>
      %dma_wait3A_621 = arith.constant 0 : i32
      %dma_wait3A_622 = arith.constant 0 : i32
      %dma_wait3A_623 = tpu.memref_slice %dma_wait3A_620[%dma_wait3A_621, %dma_wait3A_622] : memref<200x128xf32, #tpu.memory_space<hbm>> -> memref<128x128xf32, #tpu.memory_space<hbm>>
      %dma_wait3A_624 = arith.constant 0 : i32
      %dma_wait3A_625 = arith.constant 0 : i32
      %dma_wait3A_626 = tpu.memref_slice %arg4[%dma_wait3A_616, %dma_wait3A_624, %dma_wait3A_625] : memref<1024x200x128xf32, #tpu.memory_space<hbm>> -> memref<1x200x128xf32, #tpu.memory_space<hbm>>
      %dma_wait3A_627 = tpu.memref_squeeze %dma_wait3A_626 : memref<1x200x128xf32, #tpu.memory_space<hbm>> -> memref<200x128xf32, #tpu.memory_space<hbm>>
      %dma_wait3A_628 = arith.constant 0 : i32
      %dma_wait3A_629 = arith.constant 0 : i32
      %dma_wait3A_630 = tpu.memref_slice %dma_wait3A_627[%dma_wait3A_628, %dma_wait3A_629] : memref<200x128xf32, #tpu.memory_space<hbm>> -> memref<128x128xf32, #tpu.memory_space<hbm>>
      tpu.wait_dma2 semaphore(%arg27 : memref<!tpu.dma_semaphore, #tpu.memory_space<semaphore_mem>>) src(%arg11 : memref<128x128xf32, #tpu.memory_space<vmem>>) dst(%dma_wait3A_630 : memref<128x128xf32, #tpu.memory_space<hbm>>)
      %lt3A_631 = arith.constant 7 : i32
      %lt3A_632 = arith.cmpi slt, %scan3A_65, %lt3A_631 : i32
      %convert_element_type3A_633 = arith.extui %lt3A_632 : i1 to i32
      %cond3A_634 = arith.constant 0 : i32
      %cond3A_635 = arith.cmpi ne, %convert_element_type3A_633, %cond3A_634 : i32
      scf.if %cond3A_635 {
        %add3A_696 = arith.constant 1 : i32
        %add3A_697 = arith.addi %scan3A_65, %add3A_696 : i32
        %mul3A_698 = arith.constant 8 : i32
        %mul3A_699 = arith.muli %add3A_697, %mul3A_698 : i32
        %add3A_700 = arith.constant 4 : i32
        %add3A_701 = arith.addi %mul3A_699, %add3A_700 : i32
        %jit3A_702 = arith.constant 2 : i32
        %div3A_703 = arith.divsi %add3A_701, %jit3A_702 : i32
        %sign3A_704 = arith.constant 0 : i32
        %sign3A_705 = arith.cmpi sgt, %add3A_701, %sign3A_704 : i32
        %sign3A_706 = arith.extui %sign3A_705 : i1 to i32
        %sign3A_707 = arith.constant 0 : i32
        %sign3A_708 = arith.cmpi slt, %add3A_701, %sign3A_707 : i32
        %sign3A_709 = arith.extui %sign3A_708 : i1 to i32
        %sign3A_710 = arith.subi %sign3A_706, %sign3A_709 : i32
        %sign3A_711 = arith.constant 0 : i32
        %sign3A_712 = arith.cmpi sgt, %jit3A_702, %sign3A_711 : i32
        %sign3A_713 = arith.extui %sign3A_712 : i1 to i32
        %sign3A_714 = arith.constant 0 : i32
        %sign3A_715 = arith.cmpi slt, %jit3A_702, %sign3A_714 : i32
        %sign3A_716 = arith.extui %sign3A_715 : i1 to i32
        %sign3A_717 = arith.subi %sign3A_713, %sign3A_716 : i32
        %ne3A_718 = arith.cmpi ne, %sign3A_710, %sign3A_717 : i32
        %rem3A_719 = arith.remsi %add3A_701, %jit3A_702 : i32
        %ne3A_720 = arith.constant 0 : i32
        %ne3A_721 = arith.cmpi ne, %rem3A_719, %ne3A_720 : i32
        %and3A_722 = arith.andi %ne3A_718, %ne3A_721 : i1
        %sub3A_723 = arith.constant 1 : i32
        %sub3A_724 = arith.subi %div3A_703, %sub3A_723 : i32
        %select_n3A_725 = arith.select %and3A_722, %sub3A_724, %div3A_703 : i32
        %dma_start3A_726 = arith.constant 0 : i32
        %dma_start3A_727 = tpu.memref_slice %arg6[%select_n3A_725, %dma_start3A_726] : memref<32x200xi32, #tpu.memory_space<vmem>> -> memref<1x128xi32, #tpu.memory_space<vmem>>
        %dma_start3A_728 = tpu.memref_squeeze %dma_start3A_727 : memref<1x128xi32, #tpu.memory_space<vmem>> -> memref<128xi32, #tpu.memory_space<vmem>>
        %dma_start3A_729 = arith.constant 0 : i32
        %dma_start3A_730 = arith.constant 0 : i32
        %dma_start3A_731 = tpu.memref_slice %arg5[%dma_start3A_729, %dma_start3A_730] : memref<367x128xf32, #tpu.memory_space<vmem_shared>> -> memref<367x128xf32, #tpu.memory_space<vmem_shared>>
        tpu.enqueue_indirect_dma source(%dma_start3A_731 : memref<367x128xf32, #tpu.memory_space<vmem_shared>>) target(%arg11 : memref<128x128xf32, #tpu.memory_space<vmem>>) offsets(%dma_start3A_728 : memref<128xi32, #tpu.memory_space<vmem>>) semaphore(%arg19 : memref<!tpu.dma_semaphore, #tpu.memory_space<semaphore_mem>>)
      } else {
      }
      %dma_wait3A_636 = arith.constant 0 : i32
      %dma_wait3A_637 = arith.constant 0 : i32
      %dma_wait3A_638 = arith.constant 0 : i32
      %dma_wait3A_639 = tpu.memref_slice %arg4[%dma_wait3A_636, %dma_wait3A_637, %dma_wait3A_638] : memref<1024x200x128xf32, #tpu.memory_space<hbm>> -> memref<1x200x128xf32, #tpu.memory_space<hbm>>
      %dma_wait3A_640 = tpu.memref_squeeze %dma_wait3A_639 : memref<1x200x128xf32, #tpu.memory_space<hbm>> -> memref<200x128xf32, #tpu.memory_space<hbm>>
      %dma_wait3A_641 = arith.constant 0 : i32
      %dma_wait3A_642 = arith.constant 0 : i32
      %dma_wait3A_643 = tpu.memref_slice %dma_wait3A_640[%dma_wait3A_641, %dma_wait3A_642] : memref<200x128xf32, #tpu.memory_space<hbm>> -> memref<72x128xf32, #tpu.memory_space<hbm>>
      %dma_wait3A_644 = arith.constant 0 : i32
      %dma_wait3A_645 = arith.constant 0 : i32
      %dma_wait3A_646 = tpu.memref_slice %arg4[%dma_wait3A_636, %dma_wait3A_644, %dma_wait3A_645] : memref<1024x200x128xf32, #tpu.memory_space<hbm>> -> memref<1x200x128xf32, #tpu.memory_space<hbm>>
      %dma_wait3A_647 = tpu.memref_squeeze %dma_wait3A_646 : memref<1x200x128xf32, #tpu.memory_space<hbm>> -> memref<200x128xf32, #tpu.memory_space<hbm>>
      %dma_wait3A_648 = arith.constant 0 : i32
      %dma_wait3A_649 = arith.constant 0 : i32
      %dma_wait3A_650 = tpu.memref_slice %dma_wait3A_647[%dma_wait3A_648, %dma_wait3A_649] : memref<200x128xf32, #tpu.memory_space<hbm>> -> memref<72x128xf32, #tpu.memory_space<hbm>>
      tpu.wait_dma2 semaphore(%arg28 : memref<!tpu.dma_semaphore, #tpu.memory_space<semaphore_mem>>) src(%arg12 : memref<72x128xf32, #tpu.memory_space<vmem>>) dst(%dma_wait3A_650 : memref<72x128xf32, #tpu.memory_space<hbm>>)
      %lt3A_651 = arith.constant 7 : i32
      %lt3A_652 = arith.cmpi slt, %scan3A_65, %lt3A_651 : i32
      %convert_element_type3A_653 = arith.extui %lt3A_652 : i1 to i32
      %cond3A_654 = arith.constant 0 : i32
      %cond3A_655 = arith.cmpi ne, %convert_element_type3A_653, %cond3A_654 : i32
      scf.if %cond3A_655 {
        %add3A_696 = arith.constant 1 : i32
        %add3A_697 = arith.addi %scan3A_65, %add3A_696 : i32
        %mul3A_698 = arith.constant 8 : i32
        %mul3A_699 = arith.muli %add3A_697, %mul3A_698 : i32
        %add3A_700 = arith.constant 5 : i32
        %add3A_701 = arith.addi %mul3A_699, %add3A_700 : i32
        %jit3A_702 = arith.constant 2 : i32
        %div3A_703 = arith.divsi %add3A_701, %jit3A_702 : i32
        %sign3A_704 = arith.constant 0 : i32
        %sign3A_705 = arith.cmpi sgt, %add3A_701, %sign3A_704 : i32
        %sign3A_706 = arith.extui %sign3A_705 : i1 to i32
        %sign3A_707 = arith.constant 0 : i32
        %sign3A_708 = arith.cmpi slt, %add3A_701, %sign3A_707 : i32
        %sign3A_709 = arith.extui %sign3A_708 : i1 to i32
        %sign3A_710 = arith.subi %sign3A_706, %sign3A_709 : i32
        %sign3A_711 = arith.constant 0 : i32
        %sign3A_712 = arith.cmpi sgt, %jit3A_702, %sign3A_711 : i32
        %sign3A_713 = arith.extui %sign3A_712 : i1 to i32
        %sign3A_714 = arith.constant 0 : i32
        %sign3A_715 = arith.cmpi slt, %jit3A_702, %sign3A_714 : i32
        %sign3A_716 = arith.extui %sign3A_715 : i1 to i32
        %sign3A_717 = arith.subi %sign3A_713, %sign3A_716 : i32
        %ne3A_718 = arith.cmpi ne, %sign3A_710, %sign3A_717 : i32
        %rem3A_719 = arith.remsi %add3A_701, %jit3A_702 : i32
        %ne3A_720 = arith.constant 0 : i32
        %ne3A_721 = arith.cmpi ne, %rem3A_719, %ne3A_720 : i32
        %and3A_722 = arith.andi %ne3A_718, %ne3A_721 : i1
        %sub3A_723 = arith.constant 1 : i32
        %sub3A_724 = arith.subi %div3A_703, %sub3A_723 : i32
        %select_n3A_725 = arith.select %and3A_722, %sub3A_724, %div3A_703 : i32
        %dma_start3A_726 = arith.constant 128 : i32
        %dma_start3A_727 = tpu.memref_slice %arg6[%select_n3A_725, %dma_start3A_726] : memref<32x200xi32, #tpu.memory_space<vmem>> -> memref<1x72xi32, #tpu.memory_space<vmem>>
        %dma_start3A_728 = tpu.memref_squeeze %dma_start3A_727 : memref<1x72xi32, #tpu.memory_space<vmem>> -> memref<72xi32, #tpu.memory_space<vmem>>
        %dma_start3A_729 = arith.constant 0 : i32
        %dma_start3A_730 = arith.constant 0 : i32
        %dma_start3A_731 = tpu.memref_slice %arg5[%dma_start3A_729, %dma_start3A_730] : memref<367x128xf32, #tpu.memory_space<vmem_shared>> -> memref<367x128xf32, #tpu.memory_space<vmem_shared>>
        tpu.enqueue_indirect_dma source(%dma_start3A_731 : memref<367x128xf32, #tpu.memory_space<vmem_shared>>) target(%arg12 : memref<72x128xf32, #tpu.memory_space<vmem>>) offsets(%dma_start3A_728 : memref<72xi32, #tpu.memory_space<vmem>>) semaphore(%arg20 : memref<!tpu.dma_semaphore, #tpu.memory_space<semaphore_mem>>)
      } else {
      }
      %dma_wait3A_656 = arith.constant 0 : i32
      %dma_wait3A_657 = arith.constant 0 : i32
      %dma_wait3A_658 = arith.constant 0 : i32
      %dma_wait3A_659 = tpu.memref_slice %arg4[%dma_wait3A_656, %dma_wait3A_657, %dma_wait3A_658] : memref<1024x200x128xf32, #tpu.memory_space<hbm>> -> memref<1x200x128xf32, #tpu.memory_space<hbm>>
      %dma_wait3A_660 = tpu.memref_squeeze %dma_wait3A_659 : memref<1x200x128xf32, #tpu.memory_space<hbm>> -> memref<200x128xf32, #tpu.memory_space<hbm>>
      %dma_wait3A_661 = arith.constant 0 : i32
      %dma_wait3A_662 = arith.constant 0 : i32
      %dma_wait3A_663 = tpu.memref_slice %dma_wait3A_660[%dma_wait3A_661, %dma_wait3A_662] : memref<200x128xf32, #tpu.memory_space<hbm>> -> memref<128x128xf32, #tpu.memory_space<hbm>>
      %dma_wait3A_664 = arith.constant 0 : i32
      %dma_wait3A_665 = arith.constant 0 : i32
      %dma_wait3A_666 = tpu.memref_slice %arg4[%dma_wait3A_656, %dma_wait3A_664, %dma_wait3A_665] : memref<1024x200x128xf32, #tpu.memory_space<hbm>> -> memref<1x200x128xf32, #tpu.memory_space<hbm>>
      %dma_wait3A_667 = tpu.memref_squeeze %dma_wait3A_666 : memref<1x200x128xf32, #tpu.memory_space<hbm>> -> memref<200x128xf32, #tpu.memory_space<hbm>>
      %dma_wait3A_668 = arith.constant 0 : i32
      %dma_wait3A_669 = arith.constant 0 : i32
      %dma_wait3A_670 = tpu.memref_slice %dma_wait3A_667[%dma_wait3A_668, %dma_wait3A_669] : memref<200x128xf32, #tpu.memory_space<hbm>> -> memref<128x128xf32, #tpu.memory_space<hbm>>
      tpu.wait_dma2 semaphore(%arg29 : memref<!tpu.dma_semaphore, #tpu.memory_space<semaphore_mem>>) src(%arg13 : memref<128x128xf32, #tpu.memory_space<vmem>>) dst(%dma_wait3A_670 : memref<128x128xf32, #tpu.memory_space<hbm>>)
      %lt3A_671 = arith.constant 7 : i32
      %lt3A_672 = arith.cmpi slt, %scan3A_65, %lt3A_671 : i32
      %convert_element_type3A_673 = arith.extui %lt3A_672 : i1 to i32
      %cond3A_674 = arith.constant 0 : i32
      %cond3A_675 = arith.cmpi ne, %convert_element_type3A_673, %cond3A_674 : i32
      scf.if %cond3A_675 {
        %add3A_696 = arith.constant 1 : i32
        %add3A_697 = arith.addi %scan3A_65, %add3A_696 : i32
        %mul3A_698 = arith.constant 8 : i32
        %mul3A_699 = arith.muli %add3A_697, %mul3A_698 : i32
        %add3A_700 = arith.constant 6 : i32
        %add3A_701 = arith.addi %mul3A_699, %add3A_700 : i32
        %jit3A_702 = arith.constant 2 : i32
        %div3A_703 = arith.divsi %add3A_701, %jit3A_702 : i32
        %sign3A_704 = arith.constant 0 : i32
        %sign3A_705 = arith.cmpi sgt, %add3A_701, %sign3A_704 : i32
        %sign3A_706 = arith.extui %sign3A_705 : i1 to i32
        %sign3A_707 = arith.constant 0 : i32
        %sign3A_708 = arith.cmpi slt, %add3A_701, %sign3A_707 : i32
        %sign3A_709 = arith.extui %sign3A_708 : i1 to i32
        %sign3A_710 = arith.subi %sign3A_706, %sign3A_709 : i32
        %sign3A_711 = arith.constant 0 : i32
        %sign3A_712 = arith.cmpi sgt, %jit3A_702, %sign3A_711 : i32
        %sign3A_713 = arith.extui %sign3A_712 : i1 to i32
        %sign3A_714 = arith.constant 0 : i32
        %sign3A_715 = arith.cmpi slt, %jit3A_702, %sign3A_714 : i32
        %sign3A_716 = arith.extui %sign3A_715 : i1 to i32
        %sign3A_717 = arith.subi %sign3A_713, %sign3A_716 : i32
        %ne3A_718 = arith.cmpi ne, %sign3A_710, %sign3A_717 : i32
        %rem3A_719 = arith.remsi %add3A_701, %jit3A_702 : i32
        %ne3A_720 = arith.constant 0 : i32
        %ne3A_721 = arith.cmpi ne, %rem3A_719, %ne3A_720 : i32
        %and3A_722 = arith.andi %ne3A_718, %ne3A_721 : i1
        %sub3A_723 = arith.constant 1 : i32
        %sub3A_724 = arith.subi %div3A_703, %sub3A_723 : i32
        %select_n3A_725 = arith.select %and3A_722, %sub3A_724, %div3A_703 : i32
        %dma_start3A_726 = arith.constant 0 : i32
        %dma_start3A_727 = tpu.memref_slice %arg6[%select_n3A_725, %dma_start3A_726] : memref<32x200xi32, #tpu.memory_space<vmem>> -> memref<1x128xi32, #tpu.memory_space<vmem>>
        %dma_start3A_728 = tpu.memref_squeeze %dma_start3A_727 : memref<1x128xi32, #tpu.memory_space<vmem>> -> memref<128xi32, #tpu.memory_space<vmem>>
        %dma_start3A_729 = arith.constant 0 : i32
        %dma_start3A_730 = arith.constant 0 : i32
        %dma_start3A_731 = tpu.memref_slice %arg5[%dma_start3A_729, %dma_start3A_730] : memref<367x128xf32, #tpu.memory_space<vmem_shared>> -> memref<367x128xf32, #tpu.memory_space<vmem_shared>>
        tpu.enqueue_indirect_dma source(%dma_start3A_731 : memref<367x128xf32, #tpu.memory_space<vmem_shared>>) target(%arg13 : memref<128x128xf32, #tpu.memory_space<vmem>>) offsets(%dma_start3A_728 : memref<128xi32, #tpu.memory_space<vmem>>) semaphore(%arg21 : memref<!tpu.dma_semaphore, #tpu.memory_space<semaphore_mem>>)
      } else {
      }
      %dma_wait3A_676 = arith.constant 0 : i32
      %dma_wait3A_677 = arith.constant 0 : i32
      %dma_wait3A_678 = arith.constant 0 : i32
      %dma_wait3A_679 = tpu.memref_slice %arg4[%dma_wait3A_676, %dma_wait3A_677, %dma_wait3A_678] : memref<1024x200x128xf32, #tpu.memory_space<hbm>> -> memref<1x200x128xf32, #tpu.memory_space<hbm>>
      %dma_wait3A_680 = tpu.memref_squeeze %dma_wait3A_679 : memref<1x200x128xf32, #tpu.memory_space<hbm>> -> memref<200x128xf32, #tpu.memory_space<hbm>>
      %dma_wait3A_681 = arith.constant 0 : i32
      %dma_wait3A_682 = arith.constant 0 : i32
      %dma_wait3A_683 = tpu.memref_slice %dma_wait3A_680[%dma_wait3A_681, %dma_wait3A_682] : memref<200x128xf32, #tpu.memory_space<hbm>> -> memref<72x128xf32, #tpu.memory_space<hbm>>
      %dma_wait3A_684 = arith.constant 0 : i32
      %dma_wait3A_685 = arith.constant 0 : i32
      %dma_wait3A_686 = tpu.memref_slice %arg4[%dma_wait3A_676, %dma_wait3A_684, %dma_wait3A_685] : memref<1024x200x128xf32, #tpu.memory_space<hbm>> -> memref<1x200x128xf32, #tpu.memory_space<hbm>>
      %dma_wait3A_687 = tpu.memref_squeeze %dma_wait3A_686 : memref<1x200x128xf32, #tpu.memory_space<hbm>> -> memref<200x128xf32, #tpu.memory_space<hbm>>
      %dma_wait3A_688 = arith.constant 0 : i32
      %dma_wait3A_689 = arith.constant 0 : i32
      %dma_wait3A_690 = tpu.memref_slice %dma_wait3A_687[%dma_wait3A_688, %dma_wait3A_689] : memref<200x128xf32, #tpu.memory_space<hbm>> -> memref<72x128xf32, #tpu.memory_space<hbm>>
      tpu.wait_dma2 semaphore(%arg30 : memref<!tpu.dma_semaphore, #tpu.memory_space<semaphore_mem>>) src(%arg14 : memref<72x128xf32, #tpu.memory_space<vmem>>) dst(%dma_wait3A_690 : memref<72x128xf32, #tpu.memory_space<hbm>>)
      %lt3A_691 = arith.constant 7 : i32
      %lt3A_692 = arith.cmpi slt, %scan3A_65, %lt3A_691 : i32
      %convert_element_type3A_693 = arith.extui %lt3A_692 : i1 to i32
      %cond3A_694 = arith.constant 0 : i32
      %cond3A_695 = arith.cmpi ne, %convert_element_type3A_693, %cond3A_694 : i32
      scf.if %cond3A_695 {
        %add3A_696 = arith.constant 1 : i32
        %add3A_697 = arith.addi %scan3A_65, %add3A_696 : i32
        %mul3A_698 = arith.constant 8 : i32
        %mul3A_699 = arith.muli %add3A_697, %mul3A_698 : i32
        %add3A_700 = arith.constant 7 : i32
        %add3A_701 = arith.addi %mul3A_699, %add3A_700 : i32
        %jit3A_702 = arith.constant 2 : i32
        %div3A_703 = arith.divsi %add3A_701, %jit3A_702 : i32
        %sign3A_704 = arith.constant 0 : i32
        %sign3A_705 = arith.cmpi sgt, %add3A_701, %sign3A_704 : i32
        %sign3A_706 = arith.extui %sign3A_705 : i1 to i32
        %sign3A_707 = arith.constant 0 : i32
        %sign3A_708 = arith.cmpi slt, %add3A_701, %sign3A_707 : i32
        %sign3A_709 = arith.extui %sign3A_708 : i1 to i32
        %sign3A_710 = arith.subi %sign3A_706, %sign3A_709 : i32
        %sign3A_711 = arith.constant 0 : i32
        %sign3A_712 = arith.cmpi sgt, %jit3A_702, %sign3A_711 : i32
        %sign3A_713 = arith.extui %sign3A_712 : i1 to i32
        %sign3A_714 = arith.constant 0 : i32
        %sign3A_715 = arith.cmpi slt, %jit3A_702, %sign3A_714 : i32
        %sign3A_716 = arith.extui %sign3A_715 : i1 to i32
        %sign3A_717 = arith.subi %sign3A_713, %sign3A_716 : i32
        %ne3A_718 = arith.cmpi ne, %sign3A_710, %sign3A_717 : i32
        %rem3A_719 = arith.remsi %add3A_701, %jit3A_702 : i32
        %ne3A_720 = arith.constant 0 : i32
        %ne3A_721 = arith.cmpi ne, %rem3A_719, %ne3A_720 : i32
        %and3A_722 = arith.andi %ne3A_718, %ne3A_721 : i1
        %sub3A_723 = arith.constant 1 : i32
        %sub3A_724 = arith.subi %div3A_703, %sub3A_723 : i32
        %select_n3A_725 = arith.select %and3A_722, %sub3A_724, %div3A_703 : i32
        %dma_start3A_726 = arith.constant 128 : i32
        %dma_start3A_727 = tpu.memref_slice %arg6[%select_n3A_725, %dma_start3A_726] : memref<32x200xi32, #tpu.memory_space<vmem>> -> memref<1x72xi32, #tpu.memory_space<vmem>>
        %dma_start3A_728 = tpu.memref_squeeze %dma_start3A_727 : memref<1x72xi32, #tpu.memory_space<vmem>> -> memref<72xi32, #tpu.memory_space<vmem>>
        %dma_start3A_729 = arith.constant 0 : i32
        %dma_start3A_730 = arith.constant 0 : i32
        %dma_start3A_731 = tpu.memref_slice %arg5[%dma_start3A_729, %dma_start3A_730] : memref<367x128xf32, #tpu.memory_space<vmem_shared>> -> memref<367x128xf32, #tpu.memory_space<vmem_shared>>
        tpu.enqueue_indirect_dma source(%dma_start3A_731 : memref<367x128xf32, #tpu.memory_space<vmem_shared>>) target(%arg14 : memref<72x128xf32, #tpu.memory_space<vmem>>) offsets(%dma_start3A_728 : memref<72xi32, #tpu.memory_space<vmem>>) semaphore(%arg22 : memref<!tpu.dma_semaphore, #tpu.memory_space<semaphore_mem>>)
      } else {
      }
    }
    %scan3A_64 = arith.constant 8 : i32
    return
  }
}

</mosaic_0001>

<sc_bundles>
// kernel: kernel.3.cloned.1.call-start
scs
__scs_entry_jumppad:
0x0: {  	(pc) =	sbr.rel $0x88, $3  }
0x1: {  	(tag) =	ssettag $0x0;
	lr =	simm.s32 $0x1  }
0x2: {  	[smem:$0x3F9F] =	sst lr;
	_ =	strace $0xD0000000  }
0x3: {  	_ = 	snop  }
0x4: {  	_ = 	snop  }
0x5: {  	_ = 	snop  }
0x6: {  	_ = 	snop  }
0x7: {  	_ = 	snop  }
__scs_overlays_trampoline_lowered:
0x8: {  	[smem:$0x3FAE] =	sst s0  }
0x9: {  	[smem:$0x3FAF] =	sst s1  }
0xa: {  	[smem:$0x3FB0] =	sst s2  }
0xb: {  	[smem:$0x3FB1] =	sst s3  }
0xc: {  	[smem:$0x3FB2] =	sst s4  }
0xd: {  	[smem:$0x3FB3] =	sst s5  }
0xe: {  	[smem:$0x3FB4] =	sst s6  }
0xf: {  	[smem:$0x3FB5] =	sst s7  }
0x10: {  	[smem:$0x3FB6] =	sst s8  }
0x11: {  	[smem:$0x3FB7] =	sst s9;
	s0 =	simm.s32 @!p0 $0x0  }
0x12: {  	s1 =	sld [smem:$0x3F9D];
	s0 =	simm.s32 @p0 $0x1  }
0x13: {  	[smem:$0x3FB8] =	sst s0;
	s0 =	simm.s32 @!p1 $0x0  }
0x14: {  	s2 =	sld [smem:$0x3F9C];
	s0 =	simm.s32 @p1 $0x1  }
0x15: {  	[smem:$0x3FB9] =	sst s0;
	s0 =	simm.s32 @!p2 $0x0  }
0x16: {  	s3 =	sld [smem:$0x3FDB];
	s0 =	simm.s32 @p2 $0x1  }
0x17: {  	s4 =	simm.s32 $0x1BF5;
	[smem:$0x3FBB] =	sst s0  }
0x18: {  	s0 =	sld [smem:$0x3F9E];
	_ =	swait.ge [sflag:s4], $0x0  }
0x19: {  	s7 =	sld [smem:$0x3F9F]  }
0x1a: {  	s8 =	sadd.s32 $0xFFFFE003, lr  }
0x1b: {  	s9 =	sadd.s32 $0xFFFFFEF7, lr;
	s5 =	simm.s32 $0xFFFFFFFF;
	p2 =	slt.u32 s8, $0xFFFFF086  }
0x1c: {  	p1 =	slt.u32 s9, $0xF7A;
	s5 =	simm.s32 @!p2 $0x0  }
0x1d: {  	s5 =	simm.s32 @p1 $0x1;
	p0 =	seq.s32 s7, s2  }
0x1e: {  	s7 =	smul.u32 @!p0 $0xF7A, s2;
	p2 =	seq.s32 @!p0 s5, $0x0  }
0x1f: {  	s9 =	smul.u32 $0xF7A, s1;
	s8 =	simm.s32 @!p0 $0x1BF5;
	p2 =	por !p2, p0  }
0x20: {  	[sflag:s8] =	ssyncset.s32 @!p0 $0xFFFFF086;
	s6 =	sadd.s32 @!p0 s3, s7;
	s7 =	simm.s32 @!p0 $0x108  }
0x21: {  	s3 =	sadd.s32 s3, s9;
	s6 =	sadd.s32 @!p0 $0x88, s6;
	s7 =	simm.s32 @p2 $0x1082  }
0x22: {  	[simem:s7], [sflag:s8] =	dma.local @!p0 [hbm:s6], $0xF7A  }
0x23: {  	s9 =	sor.u32 $0xD0000000, s2;
	s6 =	simm.s32 $0x108;
	_ =	swait.ge @!p0 [sflag:s8], $0x0  }
0x24: {  	s3 =	sadd.s32 $0x88, s3;
	s6 =	simm.s32 @!p1 $0x1082;
	[sflag:s4] =	ssyncset.s32 $0xFFFFF086  }
0x25: {  	[simem:s6], [sflag:s4] =	dma.local [hbm:s3], $0xF7A  }
0x26: {  	[smem:$0x3F9F] =	sst s1;
	(tag) =	ssettag s2;
	_ =	strace s9  }
0x27: {  	s1 =	sld [smem:$0x3FAF]  }
0x28: {  	s2 =	sld [smem:$0x3FB0]  }
0x29: {  	s4 =	sld [smem:$0x3FB2]  }
0x2a: {  	p0 =	seq.s32 s5, $0x0;
	s5 =	sld [smem:$0x3FB3]  }
0x2b: {  	s6 =	sld [smem:$0x3FB4]  }
0x2c: {  	s7 =	sld [smem:$0x3FB5]  }
0x2d: {  	s3 =	simm.s32 $0x108;
	s8 =	sld [smem:$0x3FB6]  }
0x2e: {  	s3 =	simm.s32 @!p0 $0x1082;
	s9 =	sld [smem:$0x3FB7]  }
0x2f: {  	lr =	sadd.s32 s0, s3;
	s0 =	sld [smem:$0x3FAE]  }
0x30: {  	s3 =	sld [smem:$0x3FB1]  }
0x31: {  	[smem:$0x3FBA] =	sst s10  }
0x32: {  	s10 =	sld [smem:$0x3FB8];
	_ =	sdelay $0x3  }
0x33: {  	p0 =	seq.s32 s10, $0x1;
	s10 =	sld [smem:$0x3FBA];
	_ =	sdelay $0x3  }
0x34: {  	[smem:$0x3FBA] =	sst s10  }
0x35: {  	s10 =	sld [smem:$0x3FB9];
	_ =	sdelay $0x3  }
0x36: {  	p1 =	seq.s32 s10, $0x1;
	s10 =	sld [smem:$0x3FBA];
	_ =	sdelay $0x3  }
0x37: {  	[smem:$0x3FBA] =	sst s10  }
0x38: {  	s10 =	sld [smem:$0x3FBB]  }
0x39: {  	_ = 	snop;
	(pc) =	sbr.ind lr, $3  }
0x3a: {  	_ = 	snop  }
0x3b: {  	_ = 	snop  }
0x3c: {  	p2 =	seq.s32 s10, $0x1;
	s10 =	sld [smem:$0x3FBA]  }
0x3d: {  	_ =	shalt  }
0x3e: {  	_ =	shalt  }
0x3f: {  	_ =	shalt  }
0x40: {  	_ =	shalt  }
0x41: {  	_ =	shalt  }
0x42: {  	_ =	shalt  }
0x43: {  	_ =	shalt  }
0x44: {  	_ =	shalt  }
0x45: {  	_ =	shalt  }
0x46: {  	_ =	shalt  }
0x47: {  	_ =	shalt  }
0x48: {  	_ =	shalt  }
0x49: {  	_ =	shalt  }
0x4a: {  	_ =	shalt  }
0x4b: {  	_ =	shalt  }
0x4c: {  	_ =	shalt  }
0x4d: {  	_ =	shalt  }
0x4e: {  	_ =	shalt  }
0x4f: {  	_ =	shalt  }
0x50: {  	_ =	shalt  }
0x51: {  	_ =	shalt  }
0x52: {  	_ =	shalt  }
0x53: {  	_ =	shalt  }
0x54: {  	_ =	shalt  }
0x55: {  	_ =	shalt  }
0x56: {  	_ =	shalt  }
0x57: {  	_ =	shalt  }
0x58: {  	_ =	shalt  }
0x59: {  	_ =	shalt  }
0x5a: {  	_ =	shalt  }
0x5b: {  	_ =	shalt  }
0x5c: {  	_ =	shalt  }
0x5d: {  	_ =	shalt  }
0x5e: {  	_ =	shalt  }
0x5f: {  	_ =	shalt  }
0x60: {  	_ =	shalt  }
0x61: {  	_ =	shalt  }
0x62: {  	_ =	shalt  }
0x63: {  	_ =	shalt  }
0x64: {  	_ =	shalt  }
0x65: {  	_ =	shalt  }
0x66: {  	_ =	shalt  }
0x67: {  	_ =	shalt  }
0x68: {  	_ =	shalt  }
0x69: {  	_ =	shalt  }
0x6a: {  	_ =	shalt  }
0x6b: {  	_ =	shalt  }
0x6c: {  	_ =	shalt  }
0x6d: {  	_ =	shalt  }
0x6e: {  	_ =	shalt  }
0x6f: {  	_ =	shalt  }
0x70: {  	_ =	shalt  }
0x71: {  	_ =	shalt  }
0x72: {  	_ =	shalt  }
0x73: {  	_ =	shalt  }
0x74: {  	_ =	shalt  }
0x75: {  	_ =	shalt  }
0x76: {  	_ =	shalt  }
0x77: {  	_ =	shalt  }
0x78: {  	_ =	shalt  }
0x79: {  	_ =	shalt  }
0x7a: {  	_ =	shalt  }
0x7b: {  	_ =	shalt  }
0x7c: {  	_ =	shalt  }
0x7d: {  	_ =	shalt  }
0x7e: {  	_ =	shalt  }
0x7f: {  	_ =	shalt  }
0x80: {  	_ =	shalt  }
0x81: {  	_ =	shalt  }
0x82: {  	_ =	shalt  }
0x83: {  	_ =	shalt  }
0x84: {  	_ =	shalt  }
0x85: {  	_ =	shalt  }
0x86: {  	_ =	shalt  }
0x87: {  	_ =	shalt  }
.Lfunc_end0:
.L_simem_size_0:
called_computation_lowered:
.L_overlay_start_0:
0x88: {  	s2 =	sld [smem:$0x3FD9]  }
0x89: {  	s3 =	sld [smem:$0x3FFE];
	_ =	sdelay $0x1  }
0x8a: {  	s1 =	srdreg.scid  }
0x8b: {  	s0 =	sand.u32 $0x1, s1  }
0x8c: {  	s17 =	sshll.u32 s0, $0xA;
	s2 =	sadd.s32 s3, s2  }
0x8d: {  	s2 =	sadd.s32 s2, s17  }
0x8e: {  	[smem:$0x3FC6] =	sst s2  }
0x8f: {  	_ = 	snop  }
0x90: {  	s2 =	sld [smem:$0x3FC8]  }
0x91: {  	s18 =	sld [smem:$0x3FD0];
	(tm) =	ssettm $0x1  }
0x92: {  	s4 =	sld [smem:$0x3FFB];
	_ =	sdelay $0x3  }
0x93: {  	_ =	strace s4  }
0x94: {  	s4 =	sld [smem:$0x3FFC];
	_ =	sdelay $0x3  }
0x95: {  	_ =	strace s4  }
0x96: {  	s4 =	sld [smem:$0x3FFD];
	_ =	sdelay $0x3  }
0x97: {  	_ =	strace s4  }
0x98: {  	_ =	strace $0x8FFFFFFF  }
0x99: {  	s19 =	sld [smem:$0x3FDB];
	_ =	sdelay $0x1  }
0x9a: {  	s5 =	simm.s32 $_scs_section_size  }
0x9b: {  	s6 =	simm.s32 $_size__tile_overlayer_lowered;
	s7 =	simm.s32 $_tile_overlayer_lowered  }
0x9c: {  	s22 =	simm.s32 $0x1BFF;
	s21 =	sshll.u32 s7, $0x1;
	s4 =	sadd.s32 s5, s19  }
0x9d: {  	s8 =	simm.s32 $0x0;
	s20 =	sshll.u32 s6, $0x1;
	s6 =	sadd.s32 s21, s4  }
0x9e: {  	[timem:s8], [sflag:s22] =	dma.local [hbm:s6], s20  }
0x9f: {  	_ =	swait.ge [sflag:s22], s20  }
0xa0: {  	s5 =	ssub.s32 $0x0, s20;
	[sflag:s22] =	ssyncset.done $0x0  }
0xa1: {  	[sflag:s22] =	ssyncadd.s32 s5;
	_ =	sdelay $0x1  }
0xa2: {  	s23 =	simm.s32 $0x1B8B  }
0xa3: {  	_ =	swait.ge [sflag:s23], $0x1  }
0xa4: {  	[sflag:s23] =	ssyncset.done $0x0  }
0xa5: {  	s25 =	simm.s32 $0x1B8E;
	s24 =	sld [smem:$0x3FFE];
	[sflag:s23] =	ssyncadd.s32 $0xFFFFFFFF  }
0xa6: {  	s26 =	simm.s32 $execute0_lowered;
	[smem:$0x3FD2] =	sst s25  }
0xa7: {  	s6 =	sshll.u32 s26, $0x1;
	_ =	strace $0x80000046;
	[dreg:$0x1] =	wrdreg $0xFFFFFFFF  }
0xa8: {  	s28 =	simm.s32 $_size_execute0_lowered;
	s4 =	sadd.s32 s4, s6;
	[dreg:$0x0] =	wrdreg $0x0  }
0xa9: {  	s6 =	sshll.u32 s28, $0x1;
	[dreg:$0x2] =	wrdreg s4  }
0xaa: {  	[dreg:$0x3] =	wrdreg s6  }
0xab: {  	[dreg:$0x4] =	wrdreg $0xC0  }
0xac: {  	_ =	task [dreg:s8], $0x5FFFF  }
0xad: {  	[dreg:$0x1] =	wrdreg $0xFFFFFFFF  }
0xae: {  	[dreg:$0x0] =	wrdreg $0x60  }
0xaf: {  	[dreg:$0x2] =	wrdreg s24  }
0xb0: {  	[dreg:$0x3] =	wrdreg s2  }
0xb1: {  	[dreg:$0x4] =	wrdreg s18  }
0xb2: {  	[dreg:$0x5] =	wrdreg $0x0  }
0xb3: {  	[dreg:$0x6] =	wrdreg $0x9  }
0xb4: {  	_ =	task.clear_ibuf [dreg:s8], $0x7FFFF;
	_ =	strace $0x90000046  }
0xb5: {  	s29 =	simm.s32 $0x9;
	_ =	strace $0x80000048  }
0xb6: {  	_ =	swait.ge [sflag:s29], $0x1  }
0xb7: {  	[sflag:s29] =	ssyncadd.s32 $0xFFFFFFFF  }
0xb8: {  	_ =	strace $0x90000048  }
0xb9: {  	_ =	sfence  }
0xba: {  	s30 =	sld [smem:$0x0];
	_ =	sdelay $0x2  }
0xbb: {  	s31 =	sshll.u32 s1, $0xD;
	s1 =	sshrl.u32 s1, $0x2  }
0xbc: {  	s3 =	sand.u32 $0x4000, s31;
	s1 =	sadd.s32 s1, s30  }
0xbd: {  	s0 =	sor.u32 s3, s0;
	s1 =	sshll.u32 s1, $0x11  }
0xbe: {  	s0 =	sor.u32 s1, s0  }
0xbf: {  	s0 =	sadd.s32 $0x8F2B, s0  }
0xc0: {  	[sflag:s0] =	ssyncadd.remote.s32 $0x1  }
0xc1: {  	_ =	sfence.sel $0xFFFF  }
0xc2: {  	[dreg:$0x0] =	wrdreg $0xFFFFFFFF;
	(pc) =	sbr.abs _section_cstart, $3  }
0xc3: {  	[dreg:$0x1] =	wrdreg $0xFFFFFFFF  }
0xc4: {  	_ =	task.clear_ibuf [dreg:s8], $0x2FFFF;
	_ =	strace $0x9FFFFFFF  }
0xc5: {  	(tm) =	ssettm $0x7FFFFFFF  }
tec
execute0_lowered:
.L_overlay_start_1:
0x0: {  	(tag) =	ssettag $0x1  }
0x1: {  	s0 =	rddreg [dreg:$0x0]  }
0x2: {  	s1 =	rddreg [dreg:$0x2]  }
0x3: {  	s2 =	rddreg [dreg:$0x3];
	s3 =	simm.s32 $0x0;
	s4 =	srdreg.scid  }
0x4: {  	s5 =	stileid.u32;
	s10 =	simm.s32 $0x80;
	s14 =	simm.s32 $0x2B78  }
0x5: {  	s12 =	simm.s32 $0x48;
	s16 =	simm.s32 $0x6B78;
	s11 =	simm.s32 $0x8F78  }
0x6: {  	s18 =	simm.s32 $0xCF78;
	s20 =	simm.s32 $0xF378;
	s22 =	simm.s32 $0x13378  }
0x7: {  	s28 =	simm.s32 $0x1;
	s29 =	simm.s32 $0x2;
	s30 =	simm.s32 $0x3  }
0x8: {  	s31 =	simm.s32 $0x4;
	s13 =	simm.s32 $0x7;
	s15 =	simm.s32 $0x8  }
0x9: {  	s17 =	simm.s32 $0x9;
	s19 =	simm.s32 $0xA;
	s21 =	simm.s32 $0xB  }
0xa: {  	[smem:$0x7FF] =	sst s3;
	s4 =	sand.u32 $0x1, s4;
	s6 =	sshll.u32 s5, $0xB  }
0xb: {  	s9 =	smul.u32 $0x32000, s5;
	p0 =	sne.s32 s5, $0x0;
	s5 =	simm.s32 $0x10  }
0xc: {  	_ =	strace $0x80000047;
	s7 =	sshll.u32 s4, $0xA;
	s8 =	ssub.s32 $0x2, s4  }
0xd: {  	s4 =	smul.u32 $0x19000, s4;
	s6 =	sor.u32 s7, s6;
	s23 =	sshrl.u32 s8, $0x1  }
0xe: {  	s25 =	sadd.s32 s9, s1;
	s1 =	simm.s32 $0x6;
	s7 =	simm.s32 $0x0  }
0xf: {  	s0 =	sadd.s32 s6, s0;
	s24 =	ssub.s32 s8, s23;
	s23 =	simm.s32 $0xC  }
.Ltmp0:
0x10: {  	s8 =	simm.s32 $0xF;
	s0 =	sadd.s32 $0x400, s0;
	(pc) =	sbr.rel .LBB2_1-.Ltmp0, $4  }
0x11: {  	s26 =	smax.u32 s24, $0x1;
	s24 =	simm.s32 $0x15778;
	[dreg:$0x5] =	wrdreg s0  }
0x12: {  	[dreg:$0x6] =	wrdreg s26;
	s0 =	sadd.s32 s4, s25;
	s26 =	simm.s32 $0x19778  }
0x13: {  	s25 =	simm.s32 $0xD;
	[dreg:$0x7] =	wrdreg s0;
	s0 =	sshrl.u32 @!p0 s2, $0x3  }
0x14: {  	s4 =	simm.s32 $0xE;
	[dreg:$0x8] =	wrdreg s0;
	s0 =	simm.s32 $0x5  }
.LBB2_4:
0x15: {  	_ =	swait.ge [sflag:s19], $0x2400  }
0x16: {  	[sflag:s19] =	ssyncset.done $0x0  }
0x17: {  	[sflag:s19] =	ssyncadd.s32 $0xFFFFDC00  }
0x18: {  	_ =	swait.ge [sflag:s21], $0x4000  }
0x19: {  	[sflag:s21] =	ssyncset.done $0x0  }
0x1a: {  	[sflag:s21] =	ssyncadd.s32 $0xFFFFC000  }
0x1b: {  	_ =	swait.ge [sflag:s23], $0x2400  }
0x1c: {  	[sflag:s23] =	ssyncset.done $0x0  }
0x1d: {  	[sflag:s23] =	ssyncadd.s32 $0xFFFFDC00  }
0x1e: {  	_ =	swait.ge [sflag:s25], $0x4000  }
0x1f: {  	[sflag:s25] =	ssyncset.done $0x0  }
0x20: {  	[sflag:s25] =	ssyncadd.s32 $0xFFFFC000  }
0x21: {  	_ =	swait.ge [sflag:s4], $0x2400  }
0x22: {  	[sflag:s4] =	ssyncset.done $0x0  }
0x23: {  	[sflag:s4] =	ssyncadd.s32 $0xFFFFDC00  }
0x24: {  	_ =	swait.ge [sflag:s8], $0x4000  }
0x25: {  	[sflag:s8] =	ssyncset.done $0x0  }
0x26: {  	[sflag:s8] =	ssyncadd.s32 $0xFFFFC000  }
0x27: {  	_ =	swait.ge [sflag:s5], $0x2400  }
0x28: {  	s7 =	rddreg [dreg:$0x9]  }
0x29: {  	s6 =	rddreg [dreg:$0x6];
	s7 =	sadd.s32 $0x1, s7  }
0x2a: {  	p1 =	sne.s32 s7, s6  }
.Ltmp1:
0x2b: {  	_ = 	snop;
	(pc) =	sbr.rel @!p1 .LBB2_5-.Ltmp1, $4  }
0x2c: {  	_ = 	snop  }
0x2d: {  	s11 =	simm.s32 $0x8F78;
	s18 =	simm.s32 $0xCF78  }
0x2e: {  	s20 =	simm.s32 $0xF378;
	s22 =	simm.s32 $0x13378;
	[sflag:s5] =	ssyncset.done $0x0  }
0x2f: {  	s24 =	simm.s32 $0x15778;
	s26 =	simm.s32 $0x19778;
	[sflag:s5] =	ssyncadd.s32 $0xFFFFDC00  }
.LBB2_1:
0x30: {  	[dreg:$0x9] =	wrdreg s7  }
0x31: {  	s7 =	rddreg [dreg:$0x1]  }
0x32: {  	s6 =	simm.s32 @!p0 $0x1C11;
	s9 =	rddreg [dreg:$0x8]  }
0x33: {  	[spmem:s9], [sflag:s6] =	dma.local @!p0 [hbm:s7], $0x16F0  }
0x34: {  	s6 =	simm.s32 @!p0 $0x11  }
0x35: {  	_ =	swait.ge @!p0 [sflag:s6], $0x16F0  }
0x36: {  	[sflag:s6] =	ssyncset.done @!p0 $0x0  }
0x37: {  	[sflag:s6] =	ssyncadd.s32 @!p0 $0xFFFFE910  }
0x38: {  	[bflag:$0x0] =	sbarrier.arrive $0xFFFF  }
0x39: {  	s7 =	simm.s32 $0xB78;
	s9 =	rddreg [dreg:$0x5]  }
0x3a: {  	[tilespmem:s7], [sflag:$0x11] =	stream.linear.gather [hbm4b:s9+s3], $0x2000, $0x38;
	[tilespmem:$0x1BB78] =	vst v63  }
0x3b: {  	s9 =	simm.s32 $0x11  }
0x3c: {  	_ =	swait.ge [sflag:s9], $0x2000  }
0x3d: {  	[sflag:s9] =	ssyncset.done $0x0  }
0x3e: {  	[sflag:s9] =	ssyncadd.s32 $0xFFFFE000  }
0x3f: {  	[tilespmem:s14], [sflag:$0x1] =	stream.indirect.gather [spmem:s2], $0x80, s7, s10, $0xb8;
	[tilespmem:$0x1BB78] =	vst v63  }
0x40: {  	s7 =	simm.s32 $0xF78  }
0x41: {  	[tilespmem:s16], [sflag:$0x2] =	stream.indirect.gather [spmem:s2], $0x80, s7, s12, $0xb8;
	[tilespmem:$0x1BB78] =	vst v63  }
0x42: {  	s9 =	simm.s32 $0xBF8  }
0x43: {  	[tilespmem:s11], [sflag:$0x3] =	stream.indirect.gather [spmem:s2], $0x80, s9, s10, $0xb8;
	[tilespmem:$0x1BB78] =	vst v63  }
0x44: {  	s11 =	simm.s32 $0xFF8  }
0x45: {  	[tilespmem:s18], [sflag:$0x4] =	stream.indirect.gather [spmem:s2], $0x80, s11, s12, $0xb8;
	[tilespmem:$0x1BB78] =	vst v63  }
0x46: {  	s18 =	simm.s32 $0xC78  }
0x47: {  	[tilespmem:s20], [sflag:$0x5] =	stream.indirect.gather [spmem:s2], $0x80, s18, s10, $0xb8;
	[tilespmem:$0x1BB78] =	vst v63  }
0x48: {  	s20 =	simm.s32 $0x1078  }
0x49: {  	[tilespmem:s22], [sflag:$0x6] =	stream.indirect.gather [spmem:s2], $0x80, s20, s12, $0xb8;
	[tilespmem:$0x1BB78] =	vst v63  }
0x4a: {  	s6 =	simm.s32 $0x380;
	s7 =	rddreg [dreg:$0x7];
	s22 =	simm.s32 $0xCF8  }
0x4b: {  	[tilespmem:s24], [sflag:$0x7] =	stream.indirect.gather [spmem:s2], $0x80, s22, s10, $0xb8;
	[tilespmem:$0x1BB78] =	vst v63  }
0x4c: {  	s9 =	simm.s32 $0x700;
	s18 =	simm.s32 $0x8F78;
	s24 =	simm.s32 $0x10F8  }
0x4d: {  	[tilespmem:s26], [sflag:$0x8] =	stream.indirect.gather [spmem:s2], $0x80, s24, s12, $0xb8;
	[tilespmem:$0x1BB78] =	vst v63  }
0x4e: {  	s22 =	simm.s32 $0xF378;
	s26 =	simm.s32 $0x15778;
	s24 =	simm.s32 $0x13378  }
.LBB2_2:
0x4f: {  	_ =	swait.ge [sflag:s28], $0x4000  }
0x50: {  	[sflag:s28] =	ssyncset.done $0x0  }
0x51: {  	[sflag:s28] =	ssyncadd.s32 $0xFFFFC000  }
0x52: {  	[hbm4b:s7+s3] =	stream.linear.scatter [tilespmem:s14], [sflag:$0x9], $0x4000, $0x38;
	[tilespmem:$0x1BB78] =	vst v63  }
0x53: {  	_ =	swait.ge [sflag:s29], $0x2400  }
0x54: {  	[sflag:s29] =	ssyncset.done $0x0  }
0x55: {  	s11 =	sadd.s32 $0x800, s7;
	[sflag:s29] =	ssyncadd.s32 $0xFFFFDC00  }
0x56: {  	[hbm4b:s11+s3] =	stream.linear.scatter [tilespmem:s16], [sflag:$0xA], $0x2400, $0x38;
	[tilespmem:$0x1BB78] =	vst v63  }
0x57: {  	_ =	swait.ge [sflag:s30], $0x4000  }
0x58: {  	[sflag:s30] =	ssyncset.done $0x0  }
0x59: {  	s20 =	sadd.s32 $0xC80, s7;
	[sflag:s30] =	ssyncadd.s32 $0xFFFFC000  }
0x5a: {  	[hbm4b:s20+s3] =	stream.linear.scatter [tilespmem:s18], [sflag:$0xB], $0x4000, $0x38;
	[tilespmem:$0x1BB78] =	vst v63  }
0x5b: {  	_ =	swait.ge [sflag:s31], $0x2400  }
0x5c: {  	[sflag:s31] =	ssyncset.done $0x0  }
0x5d: {  	s11 =	sadd.s32 $0x1480, s7;
	s20 =	simm.s32 $0xCF78;
	[sflag:s31] =	ssyncadd.s32 $0xFFFFDC00  }
0x5e: {  	[hbm4b:s11+s3] =	stream.linear.scatter [tilespmem:s20], [sflag:$0xC], $0x2400, $0x38;
	[tilespmem:$0x1BB78] =	vst v63  }
0x5f: {  	_ =	swait.ge [sflag:s0], $0x4000  }
0x60: {  	[sflag:s0] =	ssyncset.done $0x0  }
0x61: {  	s20 =	sadd.s32 $0x1900, s7;
	[sflag:s0] =	ssyncadd.s32 $0xFFFFC000  }
0x62: {  	[hbm4b:s20+s3] =	stream.linear.scatter [tilespmem:s22], [sflag:$0xD], $0x4000, $0x38;
	[tilespmem:$0x1BB78] =	vst v63  }
0x63: {  	_ =	swait.ge [sflag:s1], $0x2400  }
0x64: {  	[sflag:s1] =	ssyncset.done $0x0  }
0x65: {  	s20 =	sadd.s32 $0x2100, s7;
	[sflag:s1] =	ssyncadd.s32 $0xFFFFDC00  }
0x66: {  	[hbm4b:s20+s3] =	stream.linear.scatter [tilespmem:s24], [sflag:$0xE], $0x2400, $0x38;
	[tilespmem:$0x1BB78] =	vst v63  }
0x67: {  	_ =	swait.ge [sflag:s13], $0x4000  }
0x68: {  	[sflag:s13] =	ssyncset.done $0x0  }
0x69: {  	s20 =	sadd.s32 $0x2580, s7;
	[sflag:s13] =	ssyncadd.s32 $0xFFFFC000  }
0x6a: {  	[hbm4b:s20+s3] =	stream.linear.scatter [tilespmem:s26], [sflag:$0xF], $0x4000, $0x38;
	[tilespmem:$0x1BB78] =	vst v63  }
0x6b: {  	_ =	swait.ge [sflag:s15], $0x2400  }
0x6c: {  	p1 =	seq.s32 s6, $0x1180;
	s11 =	sadd.s32 $0x2D80, s7;
	[sflag:s15] =	ssyncset.done $0x0  }
.Ltmp2:
0x6d: {  	s20 =	simm.s32 $0x19778;
	[sflag:s15] =	ssyncadd.s32 $0xFFFFDC00;
	(pc) =	sbr.rel @p1 .LBB2_4-.Ltmp2, $4  }
0x6e: {  	[hbm4b:s11+s3] =	stream.linear.scatter [tilespmem:s20], [sflag:$0x10], $0x2400, $0x38;
	[tilespmem:$0x1BB78] =	vst v63  }
0x6f: {  	_ =	swait.ge [sflag:s17], $0x4000  }
0x70: {  	[sflag:s17] =	ssyncset.done $0x0  }
0x71: {  	[sflag:s17] =	ssyncadd.s32 $0xFFFFC000  }
0x72: {  	s11 =	sadd.s32 $0xFFFFFD00, s9;
	s14 =	sadd.s32 $0xFFFFFE80, s6  }
0x73: {  	s11 =	sand.u32 $0x3800, s11;
	s14 =	sand.u32 $0x200, s14  }
0x74: {  	s11 =	sor.u32 s14, s11  }
0x75: {  	s16 =	simm.s32 $0x2B78;
	s14 =	sadd.s32 $0xB78, s11  }
0x76: {  	[tilespmem:s16], [sflag:$0x1] =	stream.indirect.gather [spmem:s2], $0x80, s14, s10, $0xb8;
	[tilespmem:$0x1BB78] =	vst v63  }
0x77: {  	_ =	swait.ge [sflag:s19], $0x2400  }
0x78: {  	s20 =	sadd.s32 $0xFFFFFF00, s6;
	s11 =	sadd.s32 $0xF78, s11;
	[sflag:s19] =	ssyncset.done $0x0  }
0x79: {  	s16 =	simm.s32 $0x6B78;
	s14 =	sadd.s32 $0xFFFFFE00, s9;
	[sflag:s19] =	ssyncadd.s32 $0xFFFFDC00  }
0x7a: {  	[tilespmem:s16], [sflag:$0x2] =	stream.indirect.gather [spmem:s2], $0x80, s11, s12, $0xb8;
	[tilespmem:$0x1BB78] =	vst v63  }
0x7b: {  	s11 =	sand.u32 $0x3800, s14;
	s14 =	sand.u32 $0x280, s20;
	_ =	swait.ge [sflag:s21], $0x4000  }
0x7c: {  	s11 =	sor.u32 s14, s11;
	[sflag:s21] =	ssyncset.done $0x0  }
0x7d: {  	s14 =	sadd.s32 $0xB78, s11;
	[sflag:s21] =	ssyncadd.s32 $0xFFFFC000  }
0x7e: {  	[tilespmem:s18], [sflag:$0x3] =	stream.indirect.gather [spmem:s2], $0x80, s14, s10, $0xb8;
	[tilespmem:$0x1BB78] =	vst v63  }
0x7f: {  	_ =	swait.ge [sflag:s23], $0x2400  }
0x80: {  	[sflag:s23] =	ssyncset.done $0x0  }
0x81: {  	s20 =	simm.s32 $0xCF78;
	s11 =	sadd.s32 $0xF78, s11;
	[sflag:s23] =	ssyncadd.s32 $0xFFFFDC00  }
0x82: {  	[tilespmem:s20], [sflag:$0x4] =	stream.indirect.gather [spmem:s2], $0x80, s11, s12, $0xb8;
	[tilespmem:$0x1BB78] =	vst v63  }
0x83: {  	s14 =	sadd.s32 $0xFFFFFF00, s9;
	s20 =	sadd.s32 $0xFFFFFF80, s6  }
0x84: {  	s11 =	sand.u32 $0x3800, s14;
	_ =	swait.ge [sflag:s25], $0x4000;
	s14 =	sand.u32 $0x300, s20  }
0x85: {  	[sflag:s25] =	ssyncset.done $0x0;
	s11 =	sor.u32 s14, s11  }
0x86: {  	[sflag:s25] =	ssyncadd.s32 $0xFFFFC000;
	s14 =	sadd.s32 $0xB78, s11  }
0x87: {  	[tilespmem:s22], [sflag:$0x5] =	stream.indirect.gather [spmem:s2], $0x80, s14, s10, $0xb8;
	[tilespmem:$0x1BB78] =	vst v63  }
0x88: {  	_ =	swait.ge [sflag:s4], $0x2400  }
0x89: {  	[sflag:s4] =	ssyncset.done $0x0  }
0x8a: {  	s11 =	sadd.s32 $0xF78, s11;
	[sflag:s4] =	ssyncadd.s32 $0xFFFFDC00  }
0x8b: {  	[tilespmem:s24], [sflag:$0x6] =	stream.indirect.gather [spmem:s2], $0x80, s11, s12, $0xb8;
	[tilespmem:$0x1BB78] =	vst v63  }
0x8c: {  	s20 =	sand.u32 $0x380, s6;
	s14 =	sand.u32 $0x3800, s9;
	_ =	swait.ge [sflag:s8], $0x4000  }
0x8d: {  	s11 =	sor.u32 s20, s14;
	[sflag:s8] =	ssyncset.done $0x0  }
0x8e: {  	s14 =	sadd.s32 $0xB78, s11;
	[sflag:s8] =	ssyncadd.s32 $0xFFFFC000  }
0x8f: {  	[tilespmem:s26], [sflag:$0x7] =	stream.indirect.gather [spmem:s2], $0x80, s14, s10, $0xb8;
	[tilespmem:$0x1BB78] =	vst v63  }
.Ltmp3:
0x90: {  	_ = 	snop;
	(pc) =	sbr.rel .LBB2_2-.Ltmp3, $4  }
0x91: {  	s7 =	sadd.s32 $0x3200, s7;
	s6 =	sadd.s32 $0x200, s6;
	_ =	swait.ge [sflag:s5], $0x2400  }
0x92: {  	s9 =	sadd.s32 $0x400, s9;
	s20 =	simm.s32 $0x19778;
	[sflag:s5] =	ssyncset.done $0x0  }
0x93: {  	s11 =	sadd.s32 $0xF78, s11;
	s14 =	simm.s32 $0x2B78;
	[sflag:s5] =	ssyncadd.s32 $0xFFFFDC00  }
0x94: {  	[tilespmem:s20], [sflag:$0x8] =	stream.indirect.gather [spmem:s2], $0x80, s11, s12, $0xb8;
	[tilespmem:$0x1BB78] =	vst v63  }
.LBB2_5:
0x95: {  	_ =	sfence.sel $0x180000  }
0x96: {  	[bflag:$0x0] =	sbarrier.arrive $0xFFFF  }
0x97: {  	_ =	strace $0x90000047  }
0x98: {  	[bflag:$0x2] =	sbarrier.arrive $0xFFFF  }
0x99: {  	s0 =	rddreg [dreg:$0x4]  }
0x9a: {  	s0 =	sadd.s32 @!p0 $0x100000, s0  }
0x9b: {  	[sflag:s0] =	ssyncadd.tile.s32 @!p0 $0x1;
	_ =	shalt  }
.Lfunc_end2:
_tile_overlayer_lowered:
.L_overlay_start_2:
0x9c: {  	(tag) =	ssettag $0x2  }
0x9d: {  	s0 =	rddreg [dreg:$0x0];
	s2 =	stileid.u32  }
0x9e: {  	s1 =	rddreg [dreg:$0x1];
	p0 =	sne.s32 s2, $0x0  }
0x9f: {  	s3 =	rddreg [dreg:$0x2];
	[bflag:$0x3] =	sbarrier.arrive $0xFFFF;
	s2 =	simm.s32 @!p0 $0x1C11  }
0xa0: {  	[timem:s3], [sflag:s2] =	dma.local @!p0 [hbm:s0], s1  }
0xa1: {  	s0 =	simm.s32 @!p0 $0x11  }
0xa2: {  	_ =	swait.ge @!p0 [sflag:s0], s1  }
0xa3: {  	s1 =	ssub.s32 @!p0 $0x0, s1;
	[sflag:s0] =	ssyncset.done @!p0 $0x0  }
0xa4: {  	[sflag:s0] =	ssyncadd.s32 @!p0 s1  }
0xa5: {  	[bflag:$0x3] =	sbarrier.arrive $0xFFFF  }
0xa6: {  	_ =	shalt  }

</sc_bundles>
